<compile_context>
chip_gen: v7x
topology: tpu7x:2x2x1
jax: 0.10.2.dev20260603
libtpu: 0.0.44.dev20260713+nightly
codegen_flags: <defaults>
</compile_context>

<pallas_src>
import functools

import jax
import jax.numpy as jnp
from jax import lax
from jax.experimental import pallas as pl
from jax.experimental.pallas import tpu as pltpu
from jax.experimental.pallas import tpu_sc as plsc

NC = 2
NS = 16
NW = NC * NS
K = 128
NBUF = 4
G = 64


def _make_deg_kernel(Np, NCH):
  rps = Np // NS
  mesh = plsc.VectorSubcoreMesh(core_axis_name="c", subcore_axis_name="s")

  @functools.partial(
      pl.kernel,
      out_type=jax.ShapeDtypeStruct((NC * Np,), jnp.float32),
      mesh=mesh,
      compiler_params=pltpu.CompilerParams(use_tc_tiling_on_sc=False),
      scratch_types=[
          pltpu.VMEM((NCH, K), jnp.int32),
          pltpu.VMEM((K,), jnp.float32),
          pltpu.VMEM((rps,), jnp.float32),
          pltpu.VMEM_SHARED((Np,), jnp.float32),
          pltpu.SemaphoreType.DMA,
      ],
  )
  def k(dst_hbm, deg_out, dstv, ones_v, zbuf, deg_sh, sem):
    c = lax.axis_index("c")
    s = lax.axis_index("s")
    w = s * NC + c
    pltpu.sync_copy(dst_hbm.at[w], dstv)
    for i in range(K // 16):
      ones_v[pl.ds(i * 16, 16)] = jnp.ones((16,), jnp.float32)

    def zbody(i, carry):
      zbuf[pl.ds(i * 16, 16)] = jnp.zeros((16,), jnp.float32)
      return carry

    lax.fori_loop(0, rps // 16, zbody, 0)
    pltpu.sync_copy(zbuf, deg_sh.at[pl.ds(s * rps, rps)])
    plsc.subcore_barrier()

    def body(j, carry):
      pltpu.async_copy(ones_v, deg_sh.at[dstv.at[j]], sem, add=True)
      return carry

    lax.fori_loop(0, NCH, body, 0)

    def drain(j, carry):
      pltpu.make_async_copy(ones_v, deg_sh.at[dstv.at[j]], sem).wait()
      return carry

    lax.fori_loop(0, NCH, drain, 0)
    plsc.subcore_barrier()
    pltpu.sync_copy(deg_sh.at[pl.ds(s * rps, rps)], zbuf)
    pltpu.sync_copy(zbuf, deg_out.at[pl.ds(c * Np + s * rps, rps)])

  return k


def _make_agg_kernel(Np, NCH, H):
  rps = Np // NS
  mesh = plsc.VectorSubcoreMesh(core_axis_name="c", subcore_axis_name="s")

  @functools.partial(
      pl.kernel,
      out_type=jax.ShapeDtypeStruct((NC, Np, H), jnp.float32),
      mesh=mesh,
      compiler_params=pltpu.CompilerParams(use_tc_tiling_on_sc=False),
      scratch_types=[
          pltpu.VMEM((NCH, K), jnp.int32),
          pltpu.VMEM((NCH, K), jnp.int32),
          [pltpu.VMEM((K, H), jnp.float32)] * NBUF,
          pltpu.VMEM_SHARED((Np, H), jnp.float32),
          [pltpu.SemaphoreType.DMA] * NBUF,
          [pltpu.SemaphoreType.DMA] * NBUF,
      ],
  )
  def k(src_hbm, dst_hbm, y_hbm, acc_out, srcv, dstv, rows, acc_sh,
        gsem, ssem):
    c = lax.axis_index("c")
    s = lax.axis_index("s")
    w = s * NC + c
    pltpu.sync_copy(src_hbm.at[w], srcv)
    pltpu.sync_copy(dst_hbm.at[w], dstv)

    def zbody(i, carry):
      for u in range(H // 16):
        rows[0][i, pl.ds(u * 16, 16)] = jnp.zeros((16,), jnp.float32)
      return carry

    lax.fori_loop(0, K, zbody, 0)
    for t in range(rps // K):
      pltpu.sync_copy(rows[0], acc_sh.at[pl.ds(s * rps + t * K, K)])
    plsc.subcore_barrier()

    for b in range(NBUF):
      pltpu.async_copy(y_hbm.at[srcv.at[b]], rows[b], gsem[b])

    def body(i, carry):
      for b in range(NBUF):
        j = i * NBUF + b
        jn = j + NBUF
        pltpu.make_async_copy(y_hbm.at[srcv.at[j]], rows[b], gsem[b]).wait()
        pltpu.async_copy(rows[b], acc_sh.at[dstv.at[j]], ssem[b], add=True)

        @pl.when(jn < NCH)
        def _():
          pltpu.make_async_copy(rows[b], acc_sh.at[dstv.at[j]],
                                ssem[b]).wait()
          pltpu.async_copy(y_hbm.at[srcv.at[jn]], rows[b], gsem[b])

      return carry

    lax.fori_loop(0, NCH // NBUF, body, 0)
    for b in range(NBUF):
      pltpu.make_async_copy(rows[b], acc_sh.at[dstv.at[NCH - NBUF + b]],
                            ssem[b]).wait()
    plsc.subcore_barrier()
    nt = rps // K
    pending = [None] * NBUF
    for t in range(nt):
      b = t % NBUF
      if pending[b] is not None:
        pltpu.make_async_copy(
            rows[b], acc_out.at[c, pl.ds(s * rps + pending[b] * K, K)],
            ssem[b]).wait()
      pltpu.sync_copy(acc_sh.at[pl.ds(s * rps + t * K, K)], rows[b])
      pltpu.async_copy(rows[b], acc_out.at[c, pl.ds(s * rps + t * K, K)],
                       ssem[b])
      pending[b] = t
    for b in range(NBUF):
      if pending[b] is not None:
        pltpu.make_async_copy(
            rows[b], acc_out.at[c, pl.ds(s * rps + pending[b] * K, K)],
            ssem[b]).wait()

  return k


def _tc_scale_kernel(x_ref, w1_ref, degt_ref, y_ref, *, n):
  degsum = jnp.sum(degt_ref[...], axis=1, keepdims=True)
  dinv = lax.rsqrt(degsum[:n] + 1.0)
  xw = jnp.dot(x_ref[...], w1_ref[...], preferred_element_type=jnp.float32)
  y_ref[...] = xw * dinv


def _tc_final_kernel(acc_ref, y_ref, degt_ref, batch_ref, b1_ref, gamma_ref,
                     beta_ref, wfc_ref, bfc_ref, out_ref, *, n):
  acc = acc_ref[0] + acc_ref[1]
  y = y_ref[...]
  ssum = acc[:n] + y
  degsum = jnp.sum(degt_ref[...], axis=1, keepdims=True)
  dinv = lax.rsqrt(degsum[:n] + 1.0)
  pre = ssum * dinv + b1_ref[...]
  mean = jnp.mean(pre, axis=0, keepdims=True)
  cent = pre - mean
  var = jnp.mean(cent * cent, axis=0, keepdims=True)
  h = cent * lax.rsqrt(var + 1e-5) * gamma_ref[...] + beta_ref[...]
  h = jnp.maximum(h, 0.0)
  gid = lax.broadcasted_iota(jnp.int32, (G, n), 0)
  onehot = (batch_ref[...] == gid).astype(jnp.float32)
  pooled = jnp.dot(onehot, h, preferred_element_type=jnp.float32)
  logits = (jnp.dot(pooled, wfc_ref[...], preferred_element_type=jnp.float32)
            + bfc_ref[...])
  m = jnp.max(logits, axis=1, keepdims=True)
  lse = jnp.log(jnp.sum(jnp.exp(logits - m), axis=1, keepdims=True)) + m
  out_ref[...] = logits - lse


def kernel(x, edge_index, batch, W1, b1, gamma, beta, Wfc, bfc):
  n, d = x.shape
  h = W1.shape[1]
  c_out = Wfc.shape[1]
  e = edge_index.shape[1]

  nch = -(-e // (NW * K))
  nch += (-nch) % NBUF
  e_pad = NW * K * nch
  pad = e_pad - e
  np_rows = ((n + 1 + 255) // 256) * 256

  src = edge_index[0]
  dst = edge_index[1]
  if pad:
    ar = jnp.arange(pad, dtype=jnp.int32)
    pad_src = (ar * 97) % n
    pad_dst = n + ar % (np_rows - n)
    src = jnp.concatenate([src, pad_src])
    dst = jnp.concatenate([dst, pad_dst])
  src3 = src.reshape(NW, nch, K)
  dst3 = dst.reshape(NW, nch, K)

  degp = _make_deg_kernel(np_rows, nch)(dst3)
  degt = degp.reshape(NC, np_rows).T

  y = pl.pallas_call(
      functools.partial(_tc_scale_kernel, n=n),
      out_shape=jax.ShapeDtypeStruct((n, h), jnp.float32),
  )(x, W1, degt)

  acc = _make_agg_kernel(np_rows, nch, h)(src3, dst3, y)

  out = pl.pallas_call(
      functools.partial(_tc_final_kernel, n=n),
      out_shape=jax.ShapeDtypeStruct((G, c_out), jnp.float32),
  )(acc, y, degt, batch.reshape(1, n), b1.reshape(1, h), gamma.reshape(1, h),
    beta.reshape(1, h), Wfc, bfc.reshape(1, c_out))
  return out

# --- scband reference (transcript-rebuilt; emitter-appended) ---
"""Pipeline reference for scband-my-model-59150289601187 (READ-ONLY COPY).

The authoritative reference and input builder live on the scoring server;
editing this copy changes nothing except your own understanding.
"""

import jax, jax.numpy as jnp
import numpy as np

N = 10000
E = 320000
D = 128
H = 64
G = 64
C = 10


def setup_inputs(seed: int = 0) -> dict:
    key = jax.random.key(seed)
    ks = jax.random.split(key, 8)
    x = jax.random.normal(ks[0], (N, D), dtype=jnp.float32)
    edge_index = jax.random.randint(ks[1], (2, E), 0, N, dtype=jnp.int32)
    batch = jnp.sort(jax.random.randint(ks[2], (N,), 0, G, dtype=jnp.int32))
    W1 = jax.random.normal(ks[3], (D, H), dtype=jnp.float32) * 0.05
    b1 = jnp.zeros((H,), dtype=jnp.float32)
    gamma = jnp.ones((H,), dtype=jnp.float32)
    beta = jnp.zeros((H,), dtype=jnp.float32)
    Wfc = jax.random.normal(ks[4], (H, C), dtype=jnp.float32) * 0.05
    bfc = jnp.zeros((C,), dtype=jnp.float32)
    return {"x": x, "edge_index": edge_index, "batch": batch, "W1": W1, "b1": b1,
            "gamma": gamma, "beta": beta, "Wfc": Wfc, "bfc": bfc}


def reference(x, edge_index, batch, W1, b1, gamma, beta, Wfc, bfc):
    n = x.shape[0]
    loops = jnp.arange(n, dtype=edge_index.dtype)
    src = jnp.concatenate([edge_index[0], loops])
    dst = jnp.concatenate([edge_index[1], loops])
    # GCN symmetric normalization with self-loops: D^-1/2 (A+I) D^-1/2
    deg = jnp.zeros((n,), dtype=x.dtype).at[dst].add(1.0)
    dinv = jax.lax.rsqrt(jnp.maximum(deg, 1e-12))
    norm = dinv[src] * dinv[dst]
    xw = x @ W1
    msg = jnp.take(xw, src, axis=0) * norm[:, None]
    out = jnp.zeros((n, xw.shape[1]), dtype=x.dtype).at[dst].add(msg) + b1
    # BatchNorm1d in training mode (batch statistics, biased variance)
    mean = out.mean(axis=0)
    var = out.var(axis=0)
    h = (out - mean) / jnp.sqrt(var + 1e-5) * gamma + beta
    h = jax.nn.relu(h)
    # global_add_pool over graph ids
    pooled = jax.ops.segment_sum(h, batch, num_segments=G)
    logits = pooled @ Wfc + bfc
    return jax.nn.log_softmax(logits, axis=-1)

if __name__ == "__main__":
    import jax
    _d = setup_inputs()
    print(jax.jit(kernel)(*tuple(_d.values())))

</pallas_src>

<mosaic_0001>
#map = affine_map<(d0, d1) -> (0, 0, 0)>
#map1 = affine_map<(d0, d1) -> (0)>
module attributes {stable_mosaic.version = 14 : i64} {
  func.func @k(%arg0: i32, %arg1: i32, %arg2: memref<32x80x128xi32, #tpu.memory_space<hbm>>, %arg3: memref<20480xf32, #tpu.memory_space<hbm>>, %arg4: memref<80x128xi32, #tpu.memory_space<vmem>>, %arg5: memref<128xf32, #tpu.memory_space<vmem>>, %arg6: memref<640xf32, #tpu.memory_space<vmem>>, %arg7: memref<10240xf32, #tpu.memory_space<vmem_shared>>, %arg8: memref<!tpu.dma_semaphore, #tpu.memory_space<semaphore_mem>>) attributes {dimension_semantics = [#tpu.dimension_semantics<core_parallel>, #tpu.dimension_semantics<subcore_parallel>], iteration_bounds = array<i64: 2, 16>, scalar_prefetch = 0 : i64, scratch_operands = 5 : i64, tpu.core_type = #tpu.core_type<sc_vector_subcore>, window_params = [{transform_indices = #map}, {transform_indices = #map1}]} {
    %mul3A = arith.constant 2 : i32
    %mul3A_0 = arith.muli %arg1, %mul3A : i32
    %add3A = arith.addi %mul3A_0, %arg0 : i32
    "tpu.region"() ({
      %run_scoped3A = tpu.sem_alloc : memref<!tpu.dma_semaphore, #tpu.memory_space<semaphore_mem>>
      %dma_start3A = arith.constant 0 : i32
      %dma_start3A_74 = arith.constant 0 : i32
      %dma_start3A_75 = tpu.memref_slice %arg2[%add3A, %dma_start3A, %dma_start3A_74] : memref<32x80x128xi32, #tpu.memory_space<hbm>> -> memref<1x80x128xi32, #tpu.memory_space<hbm>>
      %dma_start3A_76 = tpu.memref_squeeze %dma_start3A_75 : memref<1x80x128xi32, #tpu.memory_space<hbm>> -> memref<80x128xi32, #tpu.memory_space<hbm>>
      %dma_start3A_77 = arith.constant 0 : i32
      %dma_start3A_78 = arith.constant 0 : i32
      %dma_start3A_79 = tpu.memref_slice %arg2[%add3A, %dma_start3A_77, %dma_start3A_78] : memref<32x80x128xi32, #tpu.memory_space<hbm>> -> memref<1x80x128xi32, #tpu.memory_space<hbm>>
      %dma_start3A_80 = tpu.memref_squeeze %dma_start3A_79 : memref<1x80x128xi32, #tpu.memory_space<hbm>> -> memref<80x128xi32, #tpu.memory_space<hbm>>
      tpu.enqueue_dma source(%dma_start3A_80 : memref<80x128xi32, #tpu.memory_space<hbm>>) target(%arg4 : memref<80x128xi32, #tpu.memory_space<vmem>>) target_semaphore(%run_scoped3A : memref<!tpu.dma_semaphore, #tpu.memory_space<semaphore_mem>>)
      %dma_wait3A = arith.constant 0 : i32
      %dma_wait3A_81 = arith.constant 0 : i32
      %dma_wait3A_82 = tpu.memref_slice %arg2[%add3A, %dma_wait3A, %dma_wait3A_81] : memref<32x80x128xi32, #tpu.memory_space<hbm>> -> memref<1x80x128xi32, #tpu.memory_space<hbm>>
      %dma_wait3A_83 = tpu.memref_squeeze %dma_wait3A_82 : memref<1x80x128xi32, #tpu.memory_space<hbm>> -> memref<80x128xi32, #tpu.memory_space<hbm>>
      %dma_wait3A_84 = arith.constant 0 : i32
      %dma_wait3A_85 = arith.constant 0 : i32
      %dma_wait3A_86 = tpu.memref_slice %arg2[%add3A, %dma_wait3A_84, %dma_wait3A_85] : memref<32x80x128xi32, #tpu.memory_space<hbm>> -> memref<1x80x128xi32, #tpu.memory_space<hbm>>
      %dma_wait3A_87 = tpu.memref_squeeze %dma_wait3A_86 : memref<1x80x128xi32, #tpu.memory_space<hbm>> -> memref<80x128xi32, #tpu.memory_space<hbm>>
      tpu.wait_dma2 semaphore(%run_scoped3A : memref<!tpu.dma_semaphore, #tpu.memory_space<semaphore_mem>>) src(%dma_wait3A_87 : memref<80x128xi32, #tpu.memory_space<hbm>>) dst(%arg4 : memref<80x128xi32, #tpu.memory_space<vmem>>)
      tpu.yield
    }) : () -> ()
    %broadcast_in_dim3A = arith.constant 1.000000e+00 : f32
    %broadcast_in_dim3A_1 = vector.broadcast %broadcast_in_dim3A : f32 to vector<16xf32>
    %swap3A = arith.constant 0 : index
    %swap3A_2 = tpu.vector_load %arg5[%swap3A] {strides = array<i32>} : memref<128xf32, #tpu.memory_space<vmem>>, vector<16xf32>,
    %swap3A_3 = vector.shape_cast %swap3A_2 : vector<16xf32> to vector<16xf32>
    %swap3A_4 = vector.shape_cast %broadcast_in_dim3A_1 : vector<16xf32> to vector<16xf32>
    tpu.vector_store %arg5[%swap3A], %swap3A_4 {strides = array<i32>} : memref<128xf32, #tpu.memory_space<vmem>>, vector<16xf32>,
    %broadcast_in_dim3A_5 = arith.constant 1.000000e+00 : f32
    %broadcast_in_dim3A_6 = vector.broadcast %broadcast_in_dim3A_5 : f32 to vector<16xf32>
    %swap3A_7 = arith.constant 16 : index
    %swap3A_8 = tpu.vector_load %arg5[%swap3A_7] {strides = array<i32>} : memref<128xf32, #tpu.memory_space<vmem>>, vector<16xf32>,
    %swap3A_9 = vector.shape_cast %swap3A_8 : vector<16xf32> to vector<16xf32>
    %swap3A_10 = vector.shape_cast %broadcast_in_dim3A_6 : vector<16xf32> to vector<16xf32>
    tpu.vector_store %arg5[%swap3A_7], %swap3A_10 {strides = array<i32>} : memref<128xf32, #tpu.memory_space<vmem>>, vector<16xf32>,
    %broadcast_in_dim3A_11 = arith.constant 1.000000e+00 : f32
    %broadcast_in_dim3A_12 = vector.broadcast %broadcast_in_dim3A_11 : f32 to vector<16xf32>
    %swap3A_13 = arith.constant 32 : index
    %swap3A_14 = tpu.vector_load %arg5[%swap3A_13] {strides = array<i32>} : memref<128xf32, #tpu.memory_space<vmem>>, vector<16xf32>,
    %swap3A_15 = vector.shape_cast %swap3A_14 : vector<16xf32> to vector<16xf32>
    %swap3A_16 = vector.shape_cast %broadcast_in_dim3A_12 : vector<16xf32> to vector<16xf32>
    tpu.vector_store %arg5[%swap3A_13], %swap3A_16 {strides = array<i32>} : memref<128xf32, #tpu.memory_space<vmem>>, vector<16xf32>,
    %broadcast_in_dim3A_17 = arith.constant 1.000000e+00 : f32
    %broadcast_in_dim3A_18 = vector.broadcast %broadcast_in_dim3A_17 : f32 to vector<16xf32>
    %swap3A_19 = arith.constant 48 : index
    %swap3A_20 = tpu.vector_load %arg5[%swap3A_19] {strides = array<i32>} : memref<128xf32, #tpu.memory_space<vmem>>, vector<16xf32>,
    %swap3A_21 = vector.shape_cast %swap3A_20 : vector<16xf32> to vector<16xf32>
    %swap3A_22 = vector.shape_cast %broadcast_in_dim3A_18 : vector<16xf32> to vector<16xf32>
    tpu.vector_store %arg5[%swap3A_19], %swap3A_22 {strides = array<i32>} : memref<128xf32, #tpu.memory_space<vmem>>, vector<16xf32>,
    %broadcast_in_dim3A_23 = arith.constant 1.000000e+00 : f32
    %broadcast_in_dim3A_24 = vector.broadcast %broadcast_in_dim3A_23 : f32 to vector<16xf32>
    %swap3A_25 = arith.constant 64 : index
    %swap3A_26 = tpu.vector_load %arg5[%swap3A_25] {strides = array<i32>} : memref<128xf32, #tpu.memory_space<vmem>>, vector<16xf32>,
    %swap3A_27 = vector.shape_cast %swap3A_26 : vector<16xf32> to vector<16xf32>
    %swap3A_28 = vector.shape_cast %broadcast_in_dim3A_24 : vector<16xf32> to vector<16xf32>
    tpu.vector_store %arg5[%swap3A_25], %swap3A_28 {strides = array<i32>} : memref<128xf32, #tpu.memory_space<vmem>>, vector<16xf32>,
    %broadcast_in_dim3A_29 = arith.constant 1.000000e+00 : f32
    %broadcast_in_dim3A_30 = vector.broadcast %broadcast_in_dim3A_29 : f32 to vector<16xf32>
    %swap3A_31 = arith.constant 80 : index
    %swap3A_32 = tpu.vector_load %arg5[%swap3A_31] {strides = array<i32>} : memref<128xf32, #tpu.memory_space<vmem>>, vector<16xf32>,
    %swap3A_33 = vector.shape_cast %swap3A_32 : vector<16xf32> to vector<16xf32>
    %swap3A_34 = vector.shape_cast %broadcast_in_dim3A_30 : vector<16xf32> to vector<16xf32>
    tpu.vector_store %arg5[%swap3A_31], %swap3A_34 {strides = array<i32>} : memref<128xf32, #tpu.memory_space<vmem>>, vector<16xf32>,
    %broadcast_in_dim3A_35 = arith.constant 1.000000e+00 : f32
    %broadcast_in_dim3A_36 = vector.broadcast %broadcast_in_dim3A_35 : f32 to vector<16xf32>
    %swap3A_37 = arith.constant 96 : index
    %swap3A_38 = tpu.vector_load %arg5[%swap3A_37] {strides = array<i32>} : memref<128xf32, #tpu.memory_space<vmem>>, vector<16xf32>,
    %swap3A_39 = vector.shape_cast %swap3A_38 : vector<16xf32> to vector<16xf32>
    %swap3A_40 = vector.shape_cast %broadcast_in_dim3A_36 : vector<16xf32> to vector<16xf32>
    tpu.vector_store %arg5[%swap3A_37], %swap3A_40 {strides = array<i32>} : memref<128xf32, #tpu.memory_space<vmem>>, vector<16xf32>,
    %broadcast_in_dim3A_41 = arith.constant 1.000000e+00 : f32
    %broadcast_in_dim3A_42 = vector.broadcast %broadcast_in_dim3A_41 : f32 to vector<16xf32>
    %swap3A_43 = arith.constant 112 : index
    %swap3A_44 = tpu.vector_load %arg5[%swap3A_43] {strides = array<i32>} : memref<128xf32, #tpu.memory_space<vmem>>, vector<16xf32>,
    %swap3A_45 = vector.shape_cast %swap3A_44 : vector<16xf32> to vector<16xf32>
    %swap3A_46 = vector.shape_cast %broadcast_in_dim3A_42 : vector<16xf32> to vector<16xf32>
    tpu.vector_store %arg5[%swap3A_43], %swap3A_46 {strides = array<i32>} : memref<128xf32, #tpu.memory_space<vmem>>, vector<16xf32>,
    %scan3A = arith.constant 0 : i32
    %scan3A_47 = arith.constant 0 : i32
    %scan3A_48 = arith.constant 40 : i32
    %scan3A_49 = arith.addi %scan3A_47, %scan3A_48 : i32
    %scan3A_50 = arith.constant 1 : i32
    scf.for %scan3A_74 = %scan3A_47 to %scan3A_49 step %scan3A_50  : i32 {
      %broadcast_in_dim3A_75 = arith.constant 0.000000e+00 : f32
      %broadcast_in_dim3A_76 = vector.broadcast %broadcast_in_dim3A_75 : f32 to vector<16xf32>
      %mul3A_77 = arith.constant 16 : i32
      %mul3A_78 = arith.muli %scan3A_74, %mul3A_77 : i32
      %swap3A_79 = arith.index_cast %mul3A_78 : i32 to index
      %swap3A_80 = tpu.vector_load %arg6[%swap3A_79] {strides = array<i32>} : memref<640xf32, #tpu.memory_space<vmem>>, vector<16xf32>,
      %swap3A_81 = vector.shape_cast %swap3A_80 : vector<16xf32> to vector<16xf32>
      %swap3A_82 = vector.shape_cast %broadcast_in_dim3A_76 : vector<16xf32> to vector<16xf32>
      tpu.vector_store %arg6[%swap3A_79], %swap3A_82 {strides = array<i32>} : memref<640xf32, #tpu.memory_space<vmem>>, vector<16xf32>,
    }
    %scan3A_51 = arith.constant 40 : i32
    %mul3A_52 = arith.constant 640 : i32
    %mul3A_53 = arith.muli %arg1, %mul3A_52 : i32
    "tpu.region"() ({
      %run_scoped3A = tpu.sem_alloc : memref<!tpu.dma_semaphore, #tpu.memory_space<semaphore_mem>>
      %dma_start3A = tpu.memref_slice %arg7[%mul3A_53] : memref<10240xf32, #tpu.memory_space<vmem_shared>> -> memref<640xf32, #tpu.memory_space<vmem_shared>>
      %dma_start3A_74 = tpu.memref_slice %arg7[%mul3A_53] : memref<10240xf32, #tpu.memory_space<vmem_shared>> -> memref<640xf32, #tpu.memory_space<vmem_shared>>
      tpu.enqueue_dma source(%arg6 : memref<640xf32, #tpu.memory_space<vmem>>) target(%dma_start3A_74 : memref<640xf32, #tpu.memory_space<vmem_shared>>) target_semaphore(%run_scoped3A : memref<!tpu.dma_semaphore, #tpu.memory_space<semaphore_mem>>)
      %dma_wait3A = tpu.memref_slice %arg7[%mul3A_53] : memref<10240xf32, #tpu.memory_space<vmem_shared>> -> memref<640xf32, #tpu.memory_space<vmem_shared>>
      %dma_wait3A_75 = tpu.memref_slice %arg7[%mul3A_53] : memref<10240xf32, #tpu.memory_space<vmem_shared>> -> memref<640xf32, #tpu.memory_space<vmem_shared>>
      tpu.wait_dma2 semaphore(%run_scoped3A : memref<!tpu.dma_semaphore, #tpu.memory_space<semaphore_mem>>) src(%arg6 : memref<640xf32, #tpu.memory_space<vmem>>) dst(%dma_wait3A_75 : memref<640xf32, #tpu.memory_space<vmem_shared>>)
      tpu.yield
    }) : () -> ()
    %barrier3A = arith.constant 0 : index
    tpu.barrier barrier_id(%barrier3A)
    %scan3A_54 = arith.constant 0 : i32
    %scan3A_55 = arith.constant 0 : i32
    %scan3A_56 = arith.constant 80 : i32
    %scan3A_57 = arith.addi %scan3A_55, %scan3A_56 : i32
    %scan3A_58 = arith.constant 1 : i32
    scf.for %scan3A_74 = %scan3A_55 to %scan3A_57 step %scan3A_58  : i32 {
      %dma_start3A = arith.constant 0 : i32
      %dma_start3A_75 = tpu.memref_slice %arg4[%scan3A_74, %dma_start3A] : memref<80x128xi32, #tpu.memory_space<vmem>> -> memref<1x128xi32, #tpu.memory_space<vmem>>
      %dma_start3A_76 = tpu.memref_squeeze %dma_start3A_75 : memref<1x128xi32, #tpu.memory_space<vmem>> -> memref<128xi32, #tpu.memory_space<vmem>>
      %dma_start3A_77 = arith.constant 0 : i32
      %dma_start3A_78 = tpu.memref_slice %arg7[%dma_start3A_77] : memref<10240xf32, #tpu.memory_space<vmem_shared>> -> memref<10240xf32, #tpu.memory_space<vmem_shared>>
      tpu.enqueue_indirect_dma source(%arg5 : memref<128xf32, #tpu.memory_space<vmem>>) target(%dma_start3A_78 : memref<10240xf32, #tpu.memory_space<vmem_shared>>) offsets(%dma_start3A_76 : memref<128xi32, #tpu.memory_space<vmem>>) semaphore(%arg8 : memref<!tpu.dma_semaphore, #tpu.memory_space<semaphore_mem>>) {add = true}
    }
    %scan3A_59 = arith.constant 80 : i32
    %scan3A_60 = arith.constant 0 : i32
    %scan3A_61 = arith.constant 0 : i32
    %scan3A_62 = arith.constant 80 : i32
    %scan3A_63 = arith.addi %scan3A_61, %scan3A_62 : i32
    %scan3A_64 = arith.constant 1 : i32
    scf.for %scan3A_74 = %scan3A_61 to %scan3A_63 step %scan3A_64  : i32 {
      %dma_wait3A = arith.constant 0 : i32
      %dma_wait3A_75 = tpu.memref_slice %arg4[%scan3A_74, %dma_wait3A] : memref<80x128xi32, #tpu.memory_space<vmem>> -> memref<1x128xi32, #tpu.memory_space<vmem>>
      %dma_wait3A_76 = tpu.memref_squeeze %dma_wait3A_75 : memref<1x128xi32, #tpu.memory_space<vmem>> -> memref<128xi32, #tpu.memory_space<vmem>>
      %dma_wait3A_77 = arith.constant 0 : i32
      %dma_wait3A_78 = tpu.memref_slice %arg7[%dma_wait3A_77] : memref<10240xf32, #tpu.memory_space<vmem_shared>> -> memref<10240xf32, #tpu.memory_space<vmem_shared>>
      tpu.wait_indirect_dma semaphore(%arg8 : memref<!tpu.dma_semaphore, #tpu.memory_space<semaphore_mem>>) src(%arg5 : memref<128xf32, #tpu.memory_space<vmem>>) dst(%dma_wait3A_78 : memref<10240xf32, #tpu.memory_space<vmem_shared>>)
    }
    %scan3A_65 = arith.constant 80 : i32
    %barrier3A_66 = arith.constant 0 : index
    tpu.barrier barrier_id(%barrier3A_66)
    %mul3A_67 = arith.constant 640 : i32
    %mul3A_68 = arith.muli %arg1, %mul3A_67 : i32
    "tpu.region"() ({
      %run_scoped3A = tpu.sem_alloc : memref<!tpu.dma_semaphore, #tpu.memory_space<semaphore_mem>>
      %dma_start3A = tpu.memref_slice %arg7[%mul3A_68] : memref<10240xf32, #tpu.memory_space<vmem_shared>> -> memref<640xf32, #tpu.memory_space<vmem_shared>>
      %dma_start3A_74 = tpu.memref_slice %arg7[%mul3A_68] : memref<10240xf32, #tpu.memory_space<vmem_shared>> -> memref<640xf32, #tpu.memory_space<vmem_shared>>
      tpu.enqueue_dma source(%dma_start3A_74 : memref<640xf32, #tpu.memory_space<vmem_shared>>) target(%arg6 : memref<640xf32, #tpu.memory_space<vmem>>) target_semaphore(%run_scoped3A : memref<!tpu.dma_semaphore, #tpu.memory_space<semaphore_mem>>)
      %dma_wait3A = tpu.memref_slice %arg7[%mul3A_68] : memref<10240xf32, #tpu.memory_space<vmem_shared>> -> memref<640xf32, #tpu.memory_space<vmem_shared>>
      %dma_wait3A_75 = tpu.memref_slice %arg7[%mul3A_68] : memref<10240xf32, #tpu.memory_space<vmem_shared>> -> memref<640xf32, #tpu.memory_space<vmem_shared>>
      tpu.wait_dma2 semaphore(%run_scoped3A : memref<!tpu.dma_semaphore, #tpu.memory_space<semaphore_mem>>) src(%dma_wait3A_75 : memref<640xf32, #tpu.memory_space<vmem_shared>>) dst(%arg6 : memref<640xf32, #tpu.memory_space<vmem>>)
      tpu.yield
    }) : () -> ()
    %mul3A_69 = arith.constant 10240 : i32
    %mul3A_70 = arith.muli %arg0, %mul3A_69 : i32
    %mul3A_71 = arith.constant 640 : i32
    %mul3A_72 = arith.muli %arg1, %mul3A_71 : i32
    %add3A_73 = arith.addi %mul3A_70, %mul3A_72 : i32
    "tpu.region"() ({
      %run_scoped3A = tpu.sem_alloc : memref<!tpu.dma_semaphore, #tpu.memory_space<semaphore_mem>>
      %dma_start3A = tpu.memref_slice %arg3[%add3A_73] : memref<20480xf32, #tpu.memory_space<hbm>> -> memref<640xf32, #tpu.memory_space<hbm>>
      %dma_start3A_74 = tpu.memref_slice %arg3[%add3A_73] : memref<20480xf32, #tpu.memory_space<hbm>> -> memref<640xf32, #tpu.memory_space<hbm>>
      tpu.enqueue_dma source(%arg6 : memref<640xf32, #tpu.memory_space<vmem>>) target(%dma_start3A_74 : memref<640xf32, #tpu.memory_space<hbm>>) target_semaphore(%run_scoped3A : memref<!tpu.dma_semaphore, #tpu.memory_space<semaphore_mem>>)
      %dma_wait3A = tpu.memref_slice %arg3[%add3A_73] : memref<20480xf32, #tpu.memory_space<hbm>> -> memref<640xf32, #tpu.memory_space<hbm>>
      %dma_wait3A_75 = tpu.memref_slice %arg3[%add3A_73] : memref<20480xf32, #tpu.memory_space<hbm>> -> memref<640xf32, #tpu.memory_space<hbm>>
      tpu.wait_dma2 semaphore(%run_scoped3A : memref<!tpu.dma_semaphore, #tpu.memory_space<semaphore_mem>>) src(%arg6 : memref<640xf32, #tpu.memory_space<vmem>>) dst(%dma_wait3A_75 : memref<640xf32, #tpu.memory_space<hbm>>)
      tpu.yield
    }) : () -> ()
    return
  }
}

#map = affine_map<(d0, d1) -> (0, 0, 0)>
#map1 = affine_map<(d0, d1) -> (0, 0)>
module attributes {stable_mosaic.version = 14 : i64} {
  func.func @k(%arg0: i32, %arg1: i32, %arg2: memref<32x80x128xi32, #tpu.memory_space<hbm>>, %arg3: memref<32x80x128xi32, #tpu.memory_space<hbm>>, %arg4: memref<10000x64xf32, #tpu.memory_space<hbm>>, %arg5: memref<2x10240x64xf32, #tpu.memory_space<hbm>>, %arg6: memref<80x128xi32, #tpu.memory_space<vmem>>, %arg7: memref<80x128xi32, #tpu.memory_space<vmem>>, %arg8: memref<128x64xf32, #tpu.memory_space<vmem>>, %arg9: memref<128x64xf32, #tpu.memory_space<vmem>>, %arg10: memref<128x64xf32, #tpu.memory_space<vmem>>, %arg11: memref<128x64xf32, #tpu.memory_space<vmem>>, %arg12: memref<10240x64xf32, #tpu.memory_space<vmem_shared>>, %arg13: memref<!tpu.dma_semaphore, #tpu.memory_space<semaphore_mem>>, %arg14: memref<!tpu.dma_semaphore, #tpu.memory_space<semaphore_mem>>, %arg15: memref<!tpu.dma_semaphore, #tpu.memory_space<semaphore_mem>>, %arg16: memref<!tpu.dma_semaphore, #tpu.memory_space<semaphore_mem>>, %arg17: memref<!tpu.dma_semaphore, #tpu.memory_space<semaphore_mem>>, %arg18: memref<!tpu.dma_semaphore, #tpu.memory_space<semaphore_mem>>, %arg19: memref<!tpu.dma_semaphore, #tpu.memory_space<semaphore_mem>>, %arg20: memref<!tpu.dma_semaphore, #tpu.memory_space<semaphore_mem>>) attributes {dimension_semantics = [#tpu.dimension_semantics<core_parallel>, #tpu.dimension_semantics<subcore_parallel>], iteration_bounds = array<i64: 2, 16>, scalar_prefetch = 0 : i64, scratch_operands = 15 : i64, tpu.core_type = #tpu.core_type<sc_vector_subcore>, window_params = [{transform_indices = #map}, {transform_indices = #map}, {transform_indices = #map1}, {transform_indices = #map}]} {
    %mul3A = arith.constant 2 : i32
    %mul3A_0 = arith.muli %arg1, %mul3A : i32
    %add3A = arith.addi %mul3A_0, %arg0 : i32
    "tpu.region"() ({
      %run_scoped3A = tpu.sem_alloc : memref<!tpu.dma_semaphore, #tpu.memory_space<semaphore_mem>>
      %dma_start3A_207 = arith.constant 0 : i32
      %dma_start3A_208 = arith.constant 0 : i32
      %dma_start3A_209 = tpu.memref_slice %arg2[%add3A, %dma_start3A_207, %dma_start3A_208] : memref<32x80x128xi32, #tpu.memory_space<hbm>> -> memref<1x80x128xi32, #tpu.memory_space<hbm>>
      %dma_start3A_210 = tpu.memref_squeeze %dma_start3A_209 : memref<1x80x128xi32, #tpu.memory_space<hbm>> -> memref<80x128xi32, #tpu.memory_space<hbm>>
      %dma_start3A_211 = arith.constant 0 : i32
      %dma_start3A_212 = arith.constant 0 : i32
      %dma_start3A_213 = tpu.memref_slice %arg2[%add3A, %dma_start3A_211, %dma_start3A_212] : memref<32x80x128xi32, #tpu.memory_space<hbm>> -> memref<1x80x128xi32, #tpu.memory_space<hbm>>
      %dma_start3A_214 = tpu.memref_squeeze %dma_start3A_213 : memref<1x80x128xi32, #tpu.memory_space<hbm>> -> memref<80x128xi32, #tpu.memory_space<hbm>>
      tpu.enqueue_dma source(%dma_start3A_214 : memref<80x128xi32, #tpu.memory_space<hbm>>) target(%arg6 : memref<80x128xi32, #tpu.memory_space<vmem>>) target_semaphore(%run_scoped3A : memref<!tpu.dma_semaphore, #tpu.memory_space<semaphore_mem>>)
      %dma_wait3A_215 = arith.constant 0 : i32
      %dma_wait3A_216 = arith.constant 0 : i32
      %dma_wait3A_217 = tpu.memref_slice %arg2[%add3A, %dma_wait3A_215, %dma_wait3A_216] : memref<32x80x128xi32, #tpu.memory_space<hbm>> -> memref<1x80x128xi32, #tpu.memory_space<hbm>>
      %dma_wait3A_218 = tpu.memref_squeeze %dma_wait3A_217 : memref<1x80x128xi32, #tpu.memory_space<hbm>> -> memref<80x128xi32, #tpu.memory_space<hbm>>
      %dma_wait3A_219 = arith.constant 0 : i32
      %dma_wait3A_220 = arith.constant 0 : i32
      %dma_wait3A_221 = tpu.memref_slice %arg2[%add3A, %dma_wait3A_219, %dma_wait3A_220] : memref<32x80x128xi32, #tpu.memory_space<hbm>> -> memref<1x80x128xi32, #tpu.memory_space<hbm>>
      %dma_wait3A_222 = tpu.memref_squeeze %dma_wait3A_221 : memref<1x80x128xi32, #tpu.memory_space<hbm>> -> memref<80x128xi32, #tpu.memory_space<hbm>>
      tpu.wait_dma2 semaphore(%run_scoped3A : memref<!tpu.dma_semaphore, #tpu.memory_space<semaphore_mem>>) src(%dma_wait3A_222 : memref<80x128xi32, #tpu.memory_space<hbm>>) dst(%arg6 : memref<80x128xi32, #tpu.memory_space<vmem>>)
      tpu.yield
    }) : () -> ()
    "tpu.region"() ({
      %run_scoped3A = tpu.sem_alloc : memref<!tpu.dma_semaphore, #tpu.memory_space<semaphore_mem>>
      %dma_start3A_207 = arith.constant 0 : i32
      %dma_start3A_208 = arith.constant 0 : i32
      %dma_start3A_209 = tpu.memref_slice %arg3[%add3A, %dma_start3A_207, %dma_start3A_208] : memref<32x80x128xi32, #tpu.memory_space<hbm>> -> memref<1x80x128xi32, #tpu.memory_space<hbm>>
      %dma_start3A_210 = tpu.memref_squeeze %dma_start3A_209 : memref<1x80x128xi32, #tpu.memory_space<hbm>> -> memref<80x128xi32, #tpu.memory_space<hbm>>
      %dma_start3A_211 = arith.constant 0 : i32
      %dma_start3A_212 = arith.constant 0 : i32
      %dma_start3A_213 = tpu.memref_slice %arg3[%add3A, %dma_start3A_211, %dma_start3A_212] : memref<32x80x128xi32, #tpu.memory_space<hbm>> -> memref<1x80x128xi32, #tpu.memory_space<hbm>>
      %dma_start3A_214 = tpu.memref_squeeze %dma_start3A_213 : memref<1x80x128xi32, #tpu.memory_space<hbm>> -> memref<80x128xi32, #tpu.memory_space<hbm>>
      tpu.enqueue_dma source(%dma_start3A_214 : memref<80x128xi32, #tpu.memory_space<hbm>>) target(%arg7 : memref<80x128xi32, #tpu.memory_space<vmem>>) target_semaphore(%run_scoped3A : memref<!tpu.dma_semaphore, #tpu.memory_space<semaphore_mem>>)
      %dma_wait3A_215 = arith.constant 0 : i32
      %dma_wait3A_216 = arith.constant 0 : i32
      %dma_wait3A_217 = tpu.memref_slice %arg3[%add3A, %dma_wait3A_215, %dma_wait3A_216] : memref<32x80x128xi32, #tpu.memory_space<hbm>> -> memref<1x80x128xi32, #tpu.memory_space<hbm>>
      %dma_wait3A_218 = tpu.memref_squeeze %dma_wait3A_217 : memref<1x80x128xi32, #tpu.memory_space<hbm>> -> memref<80x128xi32, #tpu.memory_space<hbm>>
      %dma_wait3A_219 = arith.constant 0 : i32
      %dma_wait3A_220 = arith.constant 0 : i32
      %dma_wait3A_221 = tpu.memref_slice %arg3[%add3A, %dma_wait3A_219, %dma_wait3A_220] : memref<32x80x128xi32, #tpu.memory_space<hbm>> -> memref<1x80x128xi32, #tpu.memory_space<hbm>>
      %dma_wait3A_222 = tpu.memref_squeeze %dma_wait3A_221 : memref<1x80x128xi32, #tpu.memory_space<hbm>> -> memref<80x128xi32, #tpu.memory_space<hbm>>
      tpu.wait_dma2 semaphore(%run_scoped3A : memref<!tpu.dma_semaphore, #tpu.memory_space<semaphore_mem>>) src(%dma_wait3A_222 : memref<80x128xi32, #tpu.memory_space<hbm>>) dst(%arg7 : memref<80x128xi32, #tpu.memory_space<vmem>>)
      tpu.yield
    }) : () -> ()
    %scan3A = arith.constant 0 : i32
    %scan3A_1 = arith.constant 0 : i32
    %scan3A_2 = arith.constant 128 : i32
    %scan3A_3 = arith.addi %scan3A_1, %scan3A_2 : i32
    %scan3A_4 = arith.constant 1 : i32
    scf.for %scan3A_207 = %scan3A_1 to %scan3A_3 step %scan3A_4  : i32 {
      %broadcast_in_dim3A = arith.constant 0.000000e+00 : f32
      %broadcast_in_dim3A_208 = vector.broadcast %broadcast_in_dim3A : f32 to vector<16xf32>
      %swap3A = arith.index_cast %scan3A_207 : i32 to index
      %swap3A_209 = arith.constant 0 : index
      %swap3A_210 = tpu.vector_load %arg8[%swap3A, %swap3A_209] {strides = array<i32>} : memref<128x64xf32, #tpu.memory_space<vmem>>, vector<1x16xf32>,
      %swap3A_211 = vector.shape_cast %swap3A_210 : vector<1x16xf32> to vector<16xf32>
      %swap3A_212 = vector.shape_cast %broadcast_in_dim3A_208 : vector<16xf32> to vector<1x16xf32>
      tpu.vector_store %arg8[%swap3A, %swap3A_209], %swap3A_212 {strides = array<i32>} : memref<128x64xf32, #tpu.memory_space<vmem>>, vector<1x16xf32>,
      %broadcast_in_dim3A_213 = arith.constant 0.000000e+00 : f32
      %broadcast_in_dim3A_214 = vector.broadcast %broadcast_in_dim3A_213 : f32 to vector<16xf32>
      %swap3A_215 = arith.index_cast %scan3A_207 : i32 to index
      %swap3A_216 = arith.constant 16 : index
      %swap3A_217 = tpu.vector_load %arg8[%swap3A_215, %swap3A_216] {strides = array<i32>} : memref<128x64xf32, #tpu.memory_space<vmem>>, vector<1x16xf32>,
      %swap3A_218 = vector.shape_cast %swap3A_217 : vector<1x16xf32> to vector<16xf32>
      %swap3A_219 = vector.shape_cast %broadcast_in_dim3A_214 : vector<16xf32> to vector<1x16xf32>
      tpu.vector_store %arg8[%swap3A_215, %swap3A_216], %swap3A_219 {strides = array<i32>} : memref<128x64xf32, #tpu.memory_space<vmem>>, vector<1x16xf32>,
      %broadcast_in_dim3A_220 = arith.constant 0.000000e+00 : f32
      %broadcast_in_dim3A_221 = vector.broadcast %broadcast_in_dim3A_220 : f32 to vector<16xf32>
      %swap3A_222 = arith.index_cast %scan3A_207 : i32 to index
      %swap3A_223 = arith.constant 32 : index
      %swap3A_224 = tpu.vector_load %arg8[%swap3A_222, %swap3A_223] {strides = array<i32>} : memref<128x64xf32, #tpu.memory_space<vmem>>, vector<1x16xf32>,
      %swap3A_225 = vector.shape_cast %swap3A_224 : vector<1x16xf32> to vector<16xf32>
      %swap3A_226 = vector.shape_cast %broadcast_in_dim3A_221 : vector<16xf32> to vector<1x16xf32>
      tpu.vector_store %arg8[%swap3A_222, %swap3A_223], %swap3A_226 {strides = array<i32>} : memref<128x64xf32, #tpu.memory_space<vmem>>, vector<1x16xf32>,
      %broadcast_in_dim3A_227 = arith.constant 0.000000e+00 : f32
      %broadcast_in_dim3A_228 = vector.broadcast %broadcast_in_dim3A_227 : f32 to vector<16xf32>
      %swap3A_229 = arith.index_cast %scan3A_207 : i32 to index
      %swap3A_230 = arith.constant 48 : index
      %swap3A_231 = tpu.vector_load %arg8[%swap3A_229, %swap3A_230] {strides = array<i32>} : memref<128x64xf32, #tpu.memory_space<vmem>>, vector<1x16xf32>,
      %swap3A_232 = vector.shape_cast %swap3A_231 : vector<1x16xf32> to vector<16xf32>
      %swap3A_233 = vector.shape_cast %broadcast_in_dim3A_228 : vector<16xf32> to vector<1x16xf32>
      tpu.vector_store %arg8[%swap3A_229, %swap3A_230], %swap3A_233 {strides = array<i32>} : memref<128x64xf32, #tpu.memory_space<vmem>>, vector<1x16xf32>,
    }
    %scan3A_5 = arith.constant 128 : i32
    %mul3A_6 = arith.constant 640 : i32
    %mul3A_7 = arith.muli %arg1, %mul3A_6 : i32
    %add3A_8 = arith.constant 0 : i32
    %add3A_9 = arith.addi %mul3A_7, %add3A_8 : i32
    "tpu.region"() ({
      %run_scoped3A = tpu.sem_alloc : memref<!tpu.dma_semaphore, #tpu.memory_space<semaphore_mem>>
      %dma_start3A_207 = arith.constant 0 : i32
      %dma_start3A_208 = tpu.memref_slice %arg12[%add3A_9, %dma_start3A_207] : memref<10240x64xf32, #tpu.memory_space<vmem_shared>> -> memref<128x64xf32, #tpu.memory_space<vmem_shared>>
      %dma_start3A_209 = arith.constant 0 : i32
      %dma_start3A_210 = tpu.memref_slice %arg12[%add3A_9, %dma_start3A_209] : memref<10240x64xf32, #tpu.memory_space<vmem_shared>> -> memref<128x64xf32, #tpu.memory_space<vmem_shared>>
      tpu.enqueue_dma source(%arg8 : memref<128x64xf32, #tpu.memory_space<vmem>>) target(%dma_start3A_210 : memref<128x64xf32, #tpu.memory_space<vmem_shared>>) target_semaphore(%run_scoped3A : memref<!tpu.dma_semaphore, #tpu.memory_space<semaphore_mem>>)
      %dma_wait3A_211 = arith.constant 0 : i32
      %dma_wait3A_212 = tpu.memref_slice %arg12[%add3A_9, %dma_wait3A_211] : memref<10240x64xf32, #tpu.memory_space<vmem_shared>> -> memref<128x64xf32, #tpu.memory_space<vmem_shared>>
      %dma_wait3A_213 = arith.constant 0 : i32
      %dma_wait3A_214 = tpu.memref_slice %arg12[%add3A_9, %dma_wait3A_213] : memref<10240x64xf32, #tpu.memory_space<vmem_shared>> -> memref<128x64xf32, #tpu.memory_space<vmem_shared>>
      tpu.wait_dma2 semaphore(%run_scoped3A : memref<!tpu.dma_semaphore, #tpu.memory_space<semaphore_mem>>) src(%arg8 : memref<128x64xf32, #tpu.memory_space<vmem>>) dst(%dma_wait3A_214 : memref<128x64xf32, #tpu.memory_space<vmem_shared>>)
      tpu.yield
    }) : () -> ()
    %mul3A_10 = arith.constant 640 : i32
    %mul3A_11 = arith.muli %arg1, %mul3A_10 : i32
    %add3A_12 = arith.constant 128 : i32
    %add3A_13 = arith.addi %mul3A_11, %add3A_12 : i32
    "tpu.region"() ({
      %run_scoped3A = tpu.sem_alloc : memref<!tpu.dma_semaphore, #tpu.memory_space<semaphore_mem>>
      %dma_start3A_207 = arith.constant 0 : i32
      %dma_start3A_208 = tpu.memref_slice %arg12[%add3A_13, %dma_start3A_207] : memref<10240x64xf32, #tpu.memory_space<vmem_shared>> -> memref<128x64xf32, #tpu.memory_space<vmem_shared>>
      %dma_start3A_209 = arith.constant 0 : i32
      %dma_start3A_210 = tpu.memref_slice %arg12[%add3A_13, %dma_start3A_209] : memref<10240x64xf32, #tpu.memory_space<vmem_shared>> -> memref<128x64xf32, #tpu.memory_space<vmem_shared>>
      tpu.enqueue_dma source(%arg8 : memref<128x64xf32, #tpu.memory_space<vmem>>) target(%dma_start3A_210 : memref<128x64xf32, #tpu.memory_space<vmem_shared>>) target_semaphore(%run_scoped3A : memref<!tpu.dma_semaphore, #tpu.memory_space<semaphore_mem>>)
      %dma_wait3A_211 = arith.constant 0 : i32
      %dma_wait3A_212 = tpu.memref_slice %arg12[%add3A_13, %dma_wait3A_211] : memref<10240x64xf32, #tpu.memory_space<vmem_shared>> -> memref<128x64xf32, #tpu.memory_space<vmem_shared>>
      %dma_wait3A_213 = arith.constant 0 : i32
      %dma_wait3A_214 = tpu.memref_slice %arg12[%add3A_13, %dma_wait3A_213] : memref<10240x64xf32, #tpu.memory_space<vmem_shared>> -> memref<128x64xf32, #tpu.memory_space<vmem_shared>>
      tpu.wait_dma2 semaphore(%run_scoped3A : memref<!tpu.dma_semaphore, #tpu.memory_space<semaphore_mem>>) src(%arg8 : memref<128x64xf32, #tpu.memory_space<vmem>>) dst(%dma_wait3A_214 : memref<128x64xf32, #tpu.memory_space<vmem_shared>>)
      tpu.yield
    }) : () -> ()
    %mul3A_14 = arith.constant 640 : i32
    %mul3A_15 = arith.muli %arg1, %mul3A_14 : i32
    %add3A_16 = arith.constant 256 : i32
    %add3A_17 = arith.addi %mul3A_15, %add3A_16 : i32
    "tpu.region"() ({
      %run_scoped3A = tpu.sem_alloc : memref<!tpu.dma_semaphore, #tpu.memory_space<semaphore_mem>>
      %dma_start3A_207 = arith.constant 0 : i32
      %dma_start3A_208 = tpu.memref_slice %arg12[%add3A_17, %dma_start3A_207] : memref<10240x64xf32, #tpu.memory_space<vmem_shared>> -> memref<128x64xf32, #tpu.memory_space<vmem_shared>>
      %dma_start3A_209 = arith.constant 0 : i32
      %dma_start3A_210 = tpu.memref_slice %arg12[%add3A_17, %dma_start3A_209] : memref<10240x64xf32, #tpu.memory_space<vmem_shared>> -> memref<128x64xf32, #tpu.memory_space<vmem_shared>>
      tpu.enqueue_dma source(%arg8 : memref<128x64xf32, #tpu.memory_space<vmem>>) target(%dma_start3A_210 : memref<128x64xf32, #tpu.memory_space<vmem_shared>>) target_semaphore(%run_scoped3A : memref<!tpu.dma_semaphore, #tpu.memory_space<semaphore_mem>>)
      %dma_wait3A_211 = arith.constant 0 : i32
      %dma_wait3A_212 = tpu.memref_slice %arg12[%add3A_17, %dma_wait3A_211] : memref<10240x64xf32, #tpu.memory_space<vmem_shared>> -> memref<128x64xf32, #tpu.memory_space<vmem_shared>>
      %dma_wait3A_213 = arith.constant 0 : i32
      %dma_wait3A_214 = tpu.memref_slice %arg12[%add3A_17, %dma_wait3A_213] : memref<10240x64xf32, #tpu.memory_space<vmem_shared>> -> memref<128x64xf32, #tpu.memory_space<vmem_shared>>
      tpu.wait_dma2 semaphore(%run_scoped3A : memref<!tpu.dma_semaphore, #tpu.memory_space<semaphore_mem>>) src(%arg8 : memref<128x64xf32, #tpu.memory_space<vmem>>) dst(%dma_wait3A_214 : memref<128x64xf32, #tpu.memory_space<vmem_shared>>)
      tpu.yield
    }) : () -> ()
    %mul3A_18 = arith.constant 640 : i32
    %mul3A_19 = arith.muli %arg1, %mul3A_18 : i32
    %add3A_20 = arith.constant 384 : i32
    %add3A_21 = arith.addi %mul3A_19, %add3A_20 : i32
    "tpu.region"() ({
      %run_scoped3A = tpu.sem_alloc : memref<!tpu.dma_semaphore, #tpu.memory_space<semaphore_mem>>
      %dma_start3A_207 = arith.constant 0 : i32
      %dma_start3A_208 = tpu.memref_slice %arg12[%add3A_21, %dma_start3A_207] : memref<10240x64xf32, #tpu.memory_space<vmem_shared>> -> memref<128x64xf32, #tpu.memory_space<vmem_shared>>
      %dma_start3A_209 = arith.constant 0 : i32
      %dma_start3A_210 = tpu.memref_slice %arg12[%add3A_21, %dma_start3A_209] : memref<10240x64xf32, #tpu.memory_space<vmem_shared>> -> memref<128x64xf32, #tpu.memory_space<vmem_shared>>
      tpu.enqueue_dma source(%arg8 : memref<128x64xf32, #tpu.memory_space<vmem>>) target(%dma_start3A_210 : memref<128x64xf32, #tpu.memory_space<vmem_shared>>) target_semaphore(%run_scoped3A : memref<!tpu.dma_semaphore, #tpu.memory_space<semaphore_mem>>)
      %dma_wait3A_211 = arith.constant 0 : i32
      %dma_wait3A_212 = tpu.memref_slice %arg12[%add3A_21, %dma_wait3A_211] : memref<10240x64xf32, #tpu.memory_space<vmem_shared>> -> memref<128x64xf32, #tpu.memory_space<vmem_shared>>
      %dma_wait3A_213 = arith.constant 0 : i32
      %dma_wait3A_214 = tpu.memref_slice %arg12[%add3A_21, %dma_wait3A_213] : memref<10240x64xf32, #tpu.memory_space<vmem_shared>> -> memref<128x64xf32, #tpu.memory_space<vmem_shared>>
      tpu.wait_dma2 semaphore(%run_scoped3A : memref<!tpu.dma_semaphore, #tpu.memory_space<semaphore_mem>>) src(%arg8 : memref<128x64xf32, #tpu.memory_space<vmem>>) dst(%dma_wait3A_214 : memref<128x64xf32, #tpu.memory_space<vmem_shared>>)
      tpu.yield
    }) : () -> ()
    %mul3A_22 = arith.constant 640 : i32
    %mul3A_23 = arith.muli %arg1, %mul3A_22 : i32
    %add3A_24 = arith.constant 512 : i32
    %add3A_25 = arith.addi %mul3A_23, %add3A_24 : i32
    "tpu.region"() ({
      %run_scoped3A = tpu.sem_alloc : memref<!tpu.dma_semaphore, #tpu.memory_space<semaphore_mem>>
      %dma_start3A_207 = arith.constant 0 : i32
      %dma_start3A_208 = tpu.memref_slice %arg12[%add3A_25, %dma_start3A_207] : memref<10240x64xf32, #tpu.memory_space<vmem_shared>> -> memref<128x64xf32, #tpu.memory_space<vmem_shared>>
      %dma_start3A_209 = arith.constant 0 : i32
      %dma_start3A_210 = tpu.memref_slice %arg12[%add3A_25, %dma_start3A_209] : memref<10240x64xf32, #tpu.memory_space<vmem_shared>> -> memref<128x64xf32, #tpu.memory_space<vmem_shared>>
      tpu.enqueue_dma source(%arg8 : memref<128x64xf32, #tpu.memory_space<vmem>>) target(%dma_start3A_210 : memref<128x64xf32, #tpu.memory_space<vmem_shared>>) target_semaphore(%run_scoped3A : memref<!tpu.dma_semaphore, #tpu.memory_space<semaphore_mem>>)
      %dma_wait3A_211 = arith.constant 0 : i32
      %dma_wait3A_212 = tpu.memref_slice %arg12[%add3A_25, %dma_wait3A_211] : memref<10240x64xf32, #tpu.memory_space<vmem_shared>> -> memref<128x64xf32, #tpu.memory_space<vmem_shared>>
      %dma_wait3A_213 = arith.constant 0 : i32
      %dma_wait3A_214 = tpu.memref_slice %arg12[%add3A_25, %dma_wait3A_213] : memref<10240x64xf32, #tpu.memory_space<vmem_shared>> -> memref<128x64xf32, #tpu.memory_space<vmem_shared>>
      tpu.wait_dma2 semaphore(%run_scoped3A : memref<!tpu.dma_semaphore, #tpu.memory_space<semaphore_mem>>) src(%arg8 : memref<128x64xf32, #tpu.memory_space<vmem>>) dst(%dma_wait3A_214 : memref<128x64xf32, #tpu.memory_space<vmem_shared>>)
      tpu.yield
    }) : () -> ()
    %barrier3A = arith.constant 0 : index
    tpu.barrier barrier_id(%barrier3A)
    %dma_start3A = arith.constant 0 : i32
    %dma_start3A_26 = arith.constant 0 : i32
    %dma_start3A_27 = tpu.memref_slice %arg6[%dma_start3A, %dma_start3A_26] : memref<80x128xi32, #tpu.memory_space<vmem>> -> memref<1x128xi32, #tpu.memory_space<vmem>>
    %dma_start3A_28 = tpu.memref_squeeze %dma_start3A_27 : memref<1x128xi32, #tpu.memory_space<vmem>> -> memref<128xi32, #tpu.memory_space<vmem>>
    %dma_start3A_29 = arith.constant 0 : i32
    %dma_start3A_30 = arith.constant 0 : i32
    %dma_start3A_31 = tpu.memref_slice %arg4[%dma_start3A_29, %dma_start3A_30] : memref<10000x64xf32, #tpu.memory_space<hbm>> -> memref<10000x64xf32, #tpu.memory_space<hbm>>
    tpu.enqueue_indirect_dma source(%dma_start3A_31 : memref<10000x64xf32, #tpu.memory_space<hbm>>) target(%arg8 : memref<128x64xf32, #tpu.memory_space<vmem>>) offsets(%dma_start3A_28 : memref<128xi32, #tpu.memory_space<vmem>>) semaphore(%arg13 : memref<!tpu.dma_semaphore, #tpu.memory_space<semaphore_mem>>)
    %dma_start3A_32 = arith.constant 1 : i32
    %dma_start3A_33 = arith.constant 0 : i32
    %dma_start3A_34 = tpu.memref_slice %arg6[%dma_start3A_32, %dma_start3A_33] : memref<80x128xi32, #tpu.memory_space<vmem>> -> memref<1x128xi32, #tpu.memory_space<vmem>>
    %dma_start3A_35 = tpu.memref_squeeze %dma_start3A_34 : memref<1x128xi32, #tpu.memory_space<vmem>> -> memref<128xi32, #tpu.memory_space<vmem>>
    %dma_start3A_36 = arith.constant 0 : i32
    %dma_start3A_37 = arith.constant 0 : i32
    %dma_start3A_38 = tpu.memref_slice %arg4[%dma_start3A_36, %dma_start3A_37] : memref<10000x64xf32, #tpu.memory_space<hbm>> -> memref<10000x64xf32, #tpu.memory_space<hbm>>
    tpu.enqueue_indirect_dma source(%dma_start3A_38 : memref<10000x64xf32, #tpu.memory_space<hbm>>) target(%arg9 : memref<128x64xf32, #tpu.memory_space<vmem>>) offsets(%dma_start3A_35 : memref<128xi32, #tpu.memory_space<vmem>>) semaphore(%arg14 : memref<!tpu.dma_semaphore, #tpu.memory_space<semaphore_mem>>)
    %dma_start3A_39 = arith.constant 2 : i32
    %dma_start3A_40 = arith.constant 0 : i32
    %dma_start3A_41 = tpu.memref_slice %arg6[%dma_start3A_39, %dma_start3A_40] : memref<80x128xi32, #tpu.memory_space<vmem>> -> memref<1x128xi32, #tpu.memory_space<vmem>>
    %dma_start3A_42 = tpu.memref_squeeze %dma_start3A_41 : memref<1x128xi32, #tpu.memory_space<vmem>> -> memref<128xi32, #tpu.memory_space<vmem>>
    %dma_start3A_43 = arith.constant 0 : i32
    %dma_start3A_44 = arith.constant 0 : i32
    %dma_start3A_45 = tpu.memref_slice %arg4[%dma_start3A_43, %dma_start3A_44] : memref<10000x64xf32, #tpu.memory_space<hbm>> -> memref<10000x64xf32, #tpu.memory_space<hbm>>
    tpu.enqueue_indirect_dma source(%dma_start3A_45 : memref<10000x64xf32, #tpu.memory_space<hbm>>) target(%arg10 : memref<128x64xf32, #tpu.memory_space<vmem>>) offsets(%dma_start3A_42 : memref<128xi32, #tpu.memory_space<vmem>>) semaphore(%arg15 : memref<!tpu.dma_semaphore, #tpu.memory_space<semaphore_mem>>)
    %dma_start3A_46 = arith.constant 3 : i32
    %dma_start3A_47 = arith.constant 0 : i32
    %dma_start3A_48 = tpu.memref_slice %arg6[%dma_start3A_46, %dma_start3A_47] : memref<80x128xi32, #tpu.memory_space<vmem>> -> memref<1x128xi32, #tpu.memory_space<vmem>>
    %dma_start3A_49 = tpu.memref_squeeze %dma_start3A_48 : memref<1x128xi32, #tpu.memory_space<vmem>> -> memref<128xi32, #tpu.memory_space<vmem>>
    %dma_start3A_50 = arith.constant 0 : i32
    %dma_start3A_51 = arith.constant 0 : i32
    %dma_start3A_52 = tpu.memref_slice %arg4[%dma_start3A_50, %dma_start3A_51] : memref<10000x64xf32, #tpu.memory_space<hbm>> -> memref<10000x64xf32, #tpu.memory_space<hbm>>
    tpu.enqueue_indirect_dma source(%dma_start3A_52 : memref<10000x64xf32, #tpu.memory_space<hbm>>) target(%arg11 : memref<128x64xf32, #tpu.memory_space<vmem>>) offsets(%dma_start3A_49 : memref<128xi32, #tpu.memory_space<vmem>>) semaphore(%arg16 : memref<!tpu.dma_semaphore, #tpu.memory_space<semaphore_mem>>)
    %scan3A_53 = arith.constant 0 : i32
    %scan3A_54 = arith.constant 0 : i32
    %scan3A_55 = arith.constant 20 : i32
    %scan3A_56 = arith.addi %scan3A_54, %scan3A_55 : i32
    %scan3A_57 = arith.constant 1 : i32
    scf.for %scan3A_207 = %scan3A_54 to %scan3A_56 step %scan3A_57  : i32 {
      %mul3A_208 = arith.constant 4 : i32
      %mul3A_209 = arith.muli %scan3A_207, %mul3A_208 : i32
      %add3A_210 = arith.constant 0 : i32
      %add3A_211 = arith.addi %mul3A_209, %add3A_210 : i32
      %add3A_212 = arith.constant 4 : i32
      %add3A_213 = arith.addi %add3A_211, %add3A_212 : i32
      %dma_wait3A_214 = arith.constant 0 : i32
      %dma_wait3A_215 = tpu.memref_slice %arg6[%add3A_211, %dma_wait3A_214] : memref<80x128xi32, #tpu.memory_space<vmem>> -> memref<1x128xi32, #tpu.memory_space<vmem>>
      %dma_wait3A_216 = tpu.memref_squeeze %dma_wait3A_215 : memref<1x128xi32, #tpu.memory_space<vmem>> -> memref<128xi32, #tpu.memory_space<vmem>>
      %dma_wait3A_217 = arith.constant 0 : i32
      %dma_wait3A_218 = arith.constant 0 : i32
      %dma_wait3A_219 = tpu.memref_slice %arg4[%dma_wait3A_217, %dma_wait3A_218] : memref<10000x64xf32, #tpu.memory_space<hbm>> -> memref<10000x64xf32, #tpu.memory_space<hbm>>
      tpu.wait_indirect_dma semaphore(%arg13 : memref<!tpu.dma_semaphore, #tpu.memory_space<semaphore_mem>>) src(%dma_wait3A_219 : memref<10000x64xf32, #tpu.memory_space<hbm>>) dst(%arg8 : memref<128x64xf32, #tpu.memory_space<vmem>>)
      %dma_start3A_220 = arith.constant 0 : i32
      %dma_start3A_221 = tpu.memref_slice %arg7[%add3A_211, %dma_start3A_220] : memref<80x128xi32, #tpu.memory_space<vmem>> -> memref<1x128xi32, #tpu.memory_space<vmem>>
      %dma_start3A_222 = tpu.memref_squeeze %dma_start3A_221 : memref<1x128xi32, #tpu.memory_space<vmem>> -> memref<128xi32, #tpu.memory_space<vmem>>
      %dma_start3A_223 = arith.constant 0 : i32
      %dma_start3A_224 = arith.constant 0 : i32
      %dma_start3A_225 = tpu.memref_slice %arg12[%dma_start3A_223, %dma_start3A_224] : memref<10240x64xf32, #tpu.memory_space<vmem_shared>> -> memref<10240x64xf32, #tpu.memory_space<vmem_shared>>
      tpu.enqueue_indirect_dma source(%arg8 : memref<128x64xf32, #tpu.memory_space<vmem>>) target(%dma_start3A_225 : memref<10240x64xf32, #tpu.memory_space<vmem_shared>>) offsets(%dma_start3A_222 : memref<128xi32, #tpu.memory_space<vmem>>) semaphore(%arg17 : memref<!tpu.dma_semaphore, #tpu.memory_space<semaphore_mem>>) {add = true}
      %lt3A = arith.constant 80 : i32
      %lt3A_226 = arith.cmpi slt, %add3A_213, %lt3A : i32
      %convert_element_type3A = arith.extui %lt3A_226 : i1 to i32
      %cond3A = arith.constant 0 : i32
      %cond3A_227 = arith.cmpi ne, %convert_element_type3A, %cond3A : i32
      scf.if %cond3A_227 {
        %dma_wait3A_297 = arith.constant 0 : i32
        %dma_wait3A_298 = tpu.memref_slice %arg7[%add3A_211, %dma_wait3A_297] : memref<80x128xi32, #tpu.memory_space<vmem>> -> memref<1x128xi32, #tpu.memory_space<vmem>>
        %dma_wait3A_299 = tpu.memref_squeeze %dma_wait3A_298 : memref<1x128xi32, #tpu.memory_space<vmem>> -> memref<128xi32, #tpu.memory_space<vmem>>
        %dma_wait3A_300 = arith.constant 0 : i32
        %dma_wait3A_301 = arith.constant 0 : i32
        %dma_wait3A_302 = tpu.memref_slice %arg12[%dma_wait3A_300, %dma_wait3A_301] : memref<10240x64xf32, #tpu.memory_space<vmem_shared>> -> memref<10240x64xf32, #tpu.memory_space<vmem_shared>>
        tpu.wait_indirect_dma semaphore(%arg17 : memref<!tpu.dma_semaphore, #tpu.memory_space<semaphore_mem>>) src(%arg8 : memref<128x64xf32, #tpu.memory_space<vmem>>) dst(%dma_wait3A_302 : memref<10240x64xf32, #tpu.memory_space<vmem_shared>>)
        %dma_start3A_303 = arith.constant 0 : i32
        %dma_start3A_304 = tpu.memref_slice %arg6[%add3A_213, %dma_start3A_303] : memref<80x128xi32, #tpu.memory_space<vmem>> -> memref<1x128xi32, #tpu.memory_space<vmem>>
        %dma_start3A_305 = tpu.memref_squeeze %dma_start3A_304 : memref<1x128xi32, #tpu.memory_space<vmem>> -> memref<128xi32, #tpu.memory_space<vmem>>
        %dma_start3A_306 = arith.constant 0 : i32
        %dma_start3A_307 = arith.constant 0 : i32
        %dma_start3A_308 = tpu.memref_slice %arg4[%dma_start3A_306, %dma_start3A_307] : memref<10000x64xf32, #tpu.memory_space<hbm>> -> memref<10000x64xf32, #tpu.memory_space<hbm>>
        tpu.enqueue_indirect_dma source(%dma_start3A_308 : memref<10000x64xf32, #tpu.memory_space<hbm>>) target(%arg8 : memref<128x64xf32, #tpu.memory_space<vmem>>) offsets(%dma_start3A_305 : memref<128xi32, #tpu.memory_space<vmem>>) semaphore(%arg13 : memref<!tpu.dma_semaphore, #tpu.memory_space<semaphore_mem>>)
      } else {
      }
      %mul3A_228 = arith.constant 4 : i32
      %mul3A_229 = arith.muli %scan3A_207, %mul3A_228 : i32
      %add3A_230 = arith.constant 1 : i32
      %add3A_231 = arith.addi %mul3A_229, %add3A_230 : i32
      %add3A_232 = arith.constant 4 : i32
      %add3A_233 = arith.addi %add3A_231, %add3A_232 : i32
      %dma_wait3A_234 = arith.constant 0 : i32
      %dma_wait3A_235 = tpu.memref_slice %arg6[%add3A_231, %dma_wait3A_234] : memref<80x128xi32, #tpu.memory_space<vmem>> -> memref<1x128xi32, #tpu.memory_space<vmem>>
      %dma_wait3A_236 = tpu.memref_squeeze %dma_wait3A_235 : memref<1x128xi32, #tpu.memory_space<vmem>> -> memref<128xi32, #tpu.memory_space<vmem>>
      %dma_wait3A_237 = arith.constant 0 : i32
      %dma_wait3A_238 = arith.constant 0 : i32
      %dma_wait3A_239 = tpu.memref_slice %arg4[%dma_wait3A_237, %dma_wait3A_238] : memref<10000x64xf32, #tpu.memory_space<hbm>> -> memref<10000x64xf32, #tpu.memory_space<hbm>>
      tpu.wait_indirect_dma semaphore(%arg14 : memref<!tpu.dma_semaphore, #tpu.memory_space<semaphore_mem>>) src(%dma_wait3A_239 : memref<10000x64xf32, #tpu.memory_space<hbm>>) dst(%arg9 : memref<128x64xf32, #tpu.memory_space<vmem>>)
      %dma_start3A_240 = arith.constant 0 : i32
      %dma_start3A_241 = tpu.memref_slice %arg7[%add3A_231, %dma_start3A_240] : memref<80x128xi32, #tpu.memory_space<vmem>> -> memref<1x128xi32, #tpu.memory_space<vmem>>
      %dma_start3A_242 = tpu.memref_squeeze %dma_start3A_241 : memref<1x128xi32, #tpu.memory_space<vmem>> -> memref<128xi32, #tpu.memory_space<vmem>>
      %dma_start3A_243 = arith.constant 0 : i32
      %dma_start3A_244 = arith.constant 0 : i32
      %dma_start3A_245 = tpu.memref_slice %arg12[%dma_start3A_243, %dma_start3A_244] : memref<10240x64xf32, #tpu.memory_space<vmem_shared>> -> memref<10240x64xf32, #tpu.memory_space<vmem_shared>>
      tpu.enqueue_indirect_dma source(%arg9 : memref<128x64xf32, #tpu.memory_space<vmem>>) target(%dma_start3A_245 : memref<10240x64xf32, #tpu.memory_space<vmem_shared>>) offsets(%dma_start3A_242 : memref<128xi32, #tpu.memory_space<vmem>>) semaphore(%arg18 : memref<!tpu.dma_semaphore, #tpu.memory_space<semaphore_mem>>) {add = true}
      %lt3A_246 = arith.constant 80 : i32
      %lt3A_247 = arith.cmpi slt, %add3A_233, %lt3A_246 : i32
      %convert_element_type3A_248 = arith.extui %lt3A_247 : i1 to i32
      %cond3A_249 = arith.constant 0 : i32
      %cond3A_250 = arith.cmpi ne, %convert_element_type3A_248, %cond3A_249 : i32
      scf.if %cond3A_250 {
        %dma_wait3A_297 = arith.constant 0 : i32
        %dma_wait3A_298 = tpu.memref_slice %arg7[%add3A_231, %dma_wait3A_297] : memref<80x128xi32, #tpu.memory_space<vmem>> -> memref<1x128xi32, #tpu.memory_space<vmem>>
        %dma_wait3A_299 = tpu.memref_squeeze %dma_wait3A_298 : memref<1x128xi32, #tpu.memory_space<vmem>> -> memref<128xi32, #tpu.memory_space<vmem>>
        %dma_wait3A_300 = arith.constant 0 : i32
        %dma_wait3A_301 = arith.constant 0 : i32
        %dma_wait3A_302 = tpu.memref_slice %arg12[%dma_wait3A_300, %dma_wait3A_301] : memref<10240x64xf32, #tpu.memory_space<vmem_shared>> -> memref<10240x64xf32, #tpu.memory_space<vmem_shared>>
        tpu.wait_indirect_dma semaphore(%arg18 : memref<!tpu.dma_semaphore, #tpu.memory_space<semaphore_mem>>) src(%arg9 : memref<128x64xf32, #tpu.memory_space<vmem>>) dst(%dma_wait3A_302 : memref<10240x64xf32, #tpu.memory_space<vmem_shared>>)
        %dma_start3A_303 = arith.constant 0 : i32
        %dma_start3A_304 = tpu.memref_slice %arg6[%add3A_233, %dma_start3A_303] : memref<80x128xi32, #tpu.memory_space<vmem>> -> memref<1x128xi32, #tpu.memory_space<vmem>>
        %dma_start3A_305 = tpu.memref_squeeze %dma_start3A_304 : memref<1x128xi32, #tpu.memory_space<vmem>> -> memref<128xi32, #tpu.memory_space<vmem>>
        %dma_start3A_306 = arith.constant 0 : i32
        %dma_start3A_307 = arith.constant 0 : i32
        %dma_start3A_308 = tpu.memref_slice %arg4[%dma_start3A_306, %dma_start3A_307] : memref<10000x64xf32, #tpu.memory_space<hbm>> -> memref<10000x64xf32, #tpu.memory_space<hbm>>
        tpu.enqueue_indirect_dma source(%dma_start3A_308 : memref<10000x64xf32, #tpu.memory_space<hbm>>) target(%arg9 : memref<128x64xf32, #tpu.memory_space<vmem>>) offsets(%dma_start3A_305 : memref<128xi32, #tpu.memory_space<vmem>>) semaphore(%arg14 : memref<!tpu.dma_semaphore, #tpu.memory_space<semaphore_mem>>)
      } else {
      }
      %mul3A_251 = arith.constant 4 : i32
      %mul3A_252 = arith.muli %scan3A_207, %mul3A_251 : i32
      %add3A_253 = arith.constant 2 : i32
      %add3A_254 = arith.addi %mul3A_252, %add3A_253 : i32
      %add3A_255 = arith.constant 4 : i32
      %add3A_256 = arith.addi %add3A_254, %add3A_255 : i32
      %dma_wait3A_257 = arith.constant 0 : i32
      %dma_wait3A_258 = tpu.memref_slice %arg6[%add3A_254, %dma_wait3A_257] : memref<80x128xi32, #tpu.memory_space<vmem>> -> memref<1x128xi32, #tpu.memory_space<vmem>>
      %dma_wait3A_259 = tpu.memref_squeeze %dma_wait3A_258 : memref<1x128xi32, #tpu.memory_space<vmem>> -> memref<128xi32, #tpu.memory_space<vmem>>
      %dma_wait3A_260 = arith.constant 0 : i32
      %dma_wait3A_261 = arith.constant 0 : i32
      %dma_wait3A_262 = tpu.memref_slice %arg4[%dma_wait3A_260, %dma_wait3A_261] : memref<10000x64xf32, #tpu.memory_space<hbm>> -> memref<10000x64xf32, #tpu.memory_space<hbm>>
      tpu.wait_indirect_dma semaphore(%arg15 : memref<!tpu.dma_semaphore, #tpu.memory_space<semaphore_mem>>) src(%dma_wait3A_262 : memref<10000x64xf32, #tpu.memory_space<hbm>>) dst(%arg10 : memref<128x64xf32, #tpu.memory_space<vmem>>)
      %dma_start3A_263 = arith.constant 0 : i32
      %dma_start3A_264 = tpu.memref_slice %arg7[%add3A_254, %dma_start3A_263] : memref<80x128xi32, #tpu.memory_space<vmem>> -> memref<1x128xi32, #tpu.memory_space<vmem>>
      %dma_start3A_265 = tpu.memref_squeeze %dma_start3A_264 : memref<1x128xi32, #tpu.memory_space<vmem>> -> memref<128xi32, #tpu.memory_space<vmem>>
      %dma_start3A_266 = arith.constant 0 : i32
      %dma_start3A_267 = arith.constant 0 : i32
      %dma_start3A_268 = tpu.memref_slice %arg12[%dma_start3A_266, %dma_start3A_267] : memref<10240x64xf32, #tpu.memory_space<vmem_shared>> -> memref<10240x64xf32, #tpu.memory_space<vmem_shared>>
      tpu.enqueue_indirect_dma source(%arg10 : memref<128x64xf32, #tpu.memory_space<vmem>>) target(%dma_start3A_268 : memref<10240x64xf32, #tpu.memory_space<vmem_shared>>) offsets(%dma_start3A_265 : memref<128xi32, #tpu.memory_space<vmem>>) semaphore(%arg19 : memref<!tpu.dma_semaphore, #tpu.memory_space<semaphore_mem>>) {add = true}
      %lt3A_269 = arith.constant 80 : i32
      %lt3A_270 = arith.cmpi slt, %add3A_256, %lt3A_269 : i32
      %convert_element_type3A_271 = arith.extui %lt3A_270 : i1 to i32
      %cond3A_272 = arith.constant 0 : i32
      %cond3A_273 = arith.cmpi ne, %convert_element_type3A_271, %cond3A_272 : i32
      scf.if %cond3A_273 {
        %dma_wait3A_297 = arith.constant 0 : i32
        %dma_wait3A_298 = tpu.memref_slice %arg7[%add3A_254, %dma_wait3A_297] : memref<80x128xi32, #tpu.memory_space<vmem>> -> memref<1x128xi32, #tpu.memory_space<vmem>>
        %dma_wait3A_299 = tpu.memref_squeeze %dma_wait3A_298 : memref<1x128xi32, #tpu.memory_space<vmem>> -> memref<128xi32, #tpu.memory_space<vmem>>
        %dma_wait3A_300 = arith.constant 0 : i32
        %dma_wait3A_301 = arith.constant 0 : i32
        %dma_wait3A_302 = tpu.memref_slice %arg12[%dma_wait3A_300, %dma_wait3A_301] : memref<10240x64xf32, #tpu.memory_space<vmem_shared>> -> memref<10240x64xf32, #tpu.memory_space<vmem_shared>>
        tpu.wait_indirect_dma semaphore(%arg19 : memref<!tpu.dma_semaphore, #tpu.memory_space<semaphore_mem>>) src(%arg10 : memref<128x64xf32, #tpu.memory_space<vmem>>) dst(%dma_wait3A_302 : memref<10240x64xf32, #tpu.memory_space<vmem_shared>>)
        %dma_start3A_303 = arith.constant 0 : i32
        %dma_start3A_304 = tpu.memref_slice %arg6[%add3A_256, %dma_start3A_303] : memref<80x128xi32, #tpu.memory_space<vmem>> -> memref<1x128xi32, #tpu.memory_space<vmem>>
        %dma_start3A_305 = tpu.memref_squeeze %dma_start3A_304 : memref<1x128xi32, #tpu.memory_space<vmem>> -> memref<128xi32, #tpu.memory_space<vmem>>
        %dma_start3A_306 = arith.constant 0 : i32
        %dma_start3A_307 = arith.constant 0 : i32
        %dma_start3A_308 = tpu.memref_slice %arg4[%dma_start3A_306, %dma_start3A_307] : memref<10000x64xf32, #tpu.memory_space<hbm>> -> memref<10000x64xf32, #tpu.memory_space<hbm>>
        tpu.enqueue_indirect_dma source(%dma_start3A_308 : memref<10000x64xf32, #tpu.memory_space<hbm>>) target(%arg10 : memref<128x64xf32, #tpu.memory_space<vmem>>) offsets(%dma_start3A_305 : memref<128xi32, #tpu.memory_space<vmem>>) semaphore(%arg15 : memref<!tpu.dma_semaphore, #tpu.memory_space<semaphore_mem>>)
      } else {
      }
      %mul3A_274 = arith.constant 4 : i32
      %mul3A_275 = arith.muli %scan3A_207, %mul3A_274 : i32
      %add3A_276 = arith.constant 3 : i32
      %add3A_277 = arith.addi %mul3A_275, %add3A_276 : i32
      %add3A_278 = arith.constant 4 : i32
      %add3A_279 = arith.addi %add3A_277, %add3A_278 : i32
      %dma_wait3A_280 = arith.constant 0 : i32
      %dma_wait3A_281 = tpu.memref_slice %arg6[%add3A_277, %dma_wait3A_280] : memref<80x128xi32, #tpu.memory_space<vmem>> -> memref<1x128xi32, #tpu.memory_space<vmem>>
      %dma_wait3A_282 = tpu.memref_squeeze %dma_wait3A_281 : memref<1x128xi32, #tpu.memory_space<vmem>> -> memref<128xi32, #tpu.memory_space<vmem>>
      %dma_wait3A_283 = arith.constant 0 : i32
      %dma_wait3A_284 = arith.constant 0 : i32
      %dma_wait3A_285 = tpu.memref_slice %arg4[%dma_wait3A_283, %dma_wait3A_284] : memref<10000x64xf32, #tpu.memory_space<hbm>> -> memref<10000x64xf32, #tpu.memory_space<hbm>>
      tpu.wait_indirect_dma semaphore(%arg16 : memref<!tpu.dma_semaphore, #tpu.memory_space<semaphore_mem>>) src(%dma_wait3A_285 : memref<10000x64xf32, #tpu.memory_space<hbm>>) dst(%arg11 : memref<128x64xf32, #tpu.memory_space<vmem>>)
      %dma_start3A_286 = arith.constant 0 : i32
      %dma_start3A_287 = tpu.memref_slice %arg7[%add3A_277, %dma_start3A_286] : memref<80x128xi32, #tpu.memory_space<vmem>> -> memref<1x128xi32, #tpu.memory_space<vmem>>
      %dma_start3A_288 = tpu.memref_squeeze %dma_start3A_287 : memref<1x128xi32, #tpu.memory_space<vmem>> -> memref<128xi32, #tpu.memory_space<vmem>>
      %dma_start3A_289 = arith.constant 0 : i32
      %dma_start3A_290 = arith.constant 0 : i32
      %dma_start3A_291 = tpu.memref_slice %arg12[%dma_start3A_289, %dma_start3A_290] : memref<10240x64xf32, #tpu.memory_space<vmem_shared>> -> memref<10240x64xf32, #tpu.memory_space<vmem_shared>>
      tpu.enqueue_indirect_dma source(%arg11 : memref<128x64xf32, #tpu.memory_space<vmem>>) target(%dma_start3A_291 : memref<10240x64xf32, #tpu.memory_space<vmem_shared>>) offsets(%dma_start3A_288 : memref<128xi32, #tpu.memory_space<vmem>>) semaphore(%arg20 : memref<!tpu.dma_semaphore, #tpu.memory_space<semaphore_mem>>) {add = true}
      %lt3A_292 = arith.constant 80 : i32
      %lt3A_293 = arith.cmpi slt, %add3A_279, %lt3A_292 : i32
      %convert_element_type3A_294 = arith.extui %lt3A_293 : i1 to i32
      %cond3A_295 = arith.constant 0 : i32
      %cond3A_296 = arith.cmpi ne, %convert_element_type3A_294, %cond3A_295 : i32
      scf.if %cond3A_296 {
        %dma_wait3A_297 = arith.constant 0 : i32
        %dma_wait3A_298 = tpu.memref_slice %arg7[%add3A_277, %dma_wait3A_297] : memref<80x128xi32, #tpu.memory_space<vmem>> -> memref<1x128xi32, #tpu.memory_space<vmem>>
        %dma_wait3A_299 = tpu.memref_squeeze %dma_wait3A_298 : memref<1x128xi32, #tpu.memory_space<vmem>> -> memref<128xi32, #tpu.memory_space<vmem>>
        %dma_wait3A_300 = arith.constant 0 : i32
        %dma_wait3A_301 = arith.constant 0 : i32
        %dma_wait3A_302 = tpu.memref_slice %arg12[%dma_wait3A_300, %dma_wait3A_301] : memref<10240x64xf32, #tpu.memory_space<vmem_shared>> -> memref<10240x64xf32, #tpu.memory_space<vmem_shared>>
        tpu.wait_indirect_dma semaphore(%arg20 : memref<!tpu.dma_semaphore, #tpu.memory_space<semaphore_mem>>) src(%arg11 : memref<128x64xf32, #tpu.memory_space<vmem>>) dst(%dma_wait3A_302 : memref<10240x64xf32, #tpu.memory_space<vmem_shared>>)
        %dma_start3A_303 = arith.constant 0 : i32
        %dma_start3A_304 = tpu.memref_slice %arg6[%add3A_279, %dma_start3A_303] : memref<80x128xi32, #tpu.memory_space<vmem>> -> memref<1x128xi32, #tpu.memory_space<vmem>>
        %dma_start3A_305 = tpu.memref_squeeze %dma_start3A_304 : memref<1x128xi32, #tpu.memory_space<vmem>> -> memref<128xi32, #tpu.memory_space<vmem>>
        %dma_start3A_306 = arith.constant 0 : i32
        %dma_start3A_307 = arith.constant 0 : i32
        %dma_start3A_308 = tpu.memref_slice %arg4[%dma_start3A_306, %dma_start3A_307] : memref<10000x64xf32, #tpu.memory_space<hbm>> -> memref<10000x64xf32, #tpu.memory_space<hbm>>
        tpu.enqueue_indirect_dma source(%dma_start3A_308 : memref<10000x64xf32, #tpu.memory_space<hbm>>) target(%arg11 : memref<128x64xf32, #tpu.memory_space<vmem>>) offsets(%dma_start3A_305 : memref<128xi32, #tpu.memory_space<vmem>>) semaphore(%arg16 : memref<!tpu.dma_semaphore, #tpu.memory_space<semaphore_mem>>)
      } else {
      }
    }
    %scan3A_58 = arith.constant 20 : i32
    %dma_wait3A = arith.constant 76 : i32
    %dma_wait3A_59 = arith.constant 0 : i32
    %dma_wait3A_60 = tpu.memref_slice %arg7[%dma_wait3A, %dma_wait3A_59] : memref<80x128xi32, #tpu.memory_space<vmem>> -> memref<1x128xi32, #tpu.memory_space<vmem>>
    %dma_wait3A_61 = tpu.memref_squeeze %dma_wait3A_60 : memref<1x128xi32, #tpu.memory_space<vmem>> -> memref<128xi32, #tpu.memory_space<vmem>>
    %dma_wait3A_62 = arith.constant 0 : i32
    %dma_wait3A_63 = arith.constant 0 : i32
    %dma_wait3A_64 = tpu.memref_slice %arg12[%dma_wait3A_62, %dma_wait3A_63] : memref<10240x64xf32, #tpu.memory_space<vmem_shared>> -> memref<10240x64xf32, #tpu.memory_space<vmem_shared>>
    tpu.wait_indirect_dma semaphore(%arg17 : memref<!tpu.dma_semaphore, #tpu.memory_space<semaphore_mem>>) src(%arg8 : memref<128x64xf32, #tpu.memory_space<vmem>>) dst(%dma_wait3A_64 : memref<10240x64xf32, #tpu.memory_space<vmem_shared>>)
    %dma_wait3A_65 = arith.constant 77 : i32
    %dma_wait3A_66 = arith.constant 0 : i32
    %dma_wait3A_67 = tpu.memref_slice %arg7[%dma_wait3A_65, %dma_wait3A_66] : memref<80x128xi32, #tpu.memory_space<vmem>> -> memref<1x128xi32, #tpu.memory_space<vmem>>
    %dma_wait3A_68 = tpu.memref_squeeze %dma_wait3A_67 : memref<1x128xi32, #tpu.memory_space<vmem>> -> memref<128xi32, #tpu.memory_space<vmem>>
    %dma_wait3A_69 = arith.constant 0 : i32
    %dma_wait3A_70 = arith.constant 0 : i32
    %dma_wait3A_71 = tpu.memref_slice %arg12[%dma_wait3A_69, %dma_wait3A_70] : memref<10240x64xf32, #tpu.memory_space<vmem_shared>> -> memref<10240x64xf32, #tpu.memory_space<vmem_shared>>
    tpu.wait_indirect_dma semaphore(%arg18 : memref<!tpu.dma_semaphore, #tpu.memory_space<semaphore_mem>>) src(%arg9 : memref<128x64xf32, #tpu.memory_space<vmem>>) dst(%dma_wait3A_71 : memref<10240x64xf32, #tpu.memory_space<vmem_shared>>)
    %dma_wait3A_72 = arith.constant 78 : i32
    %dma_wait3A_73 = arith.constant 0 : i32
    %dma_wait3A_74 = tpu.memref_slice %arg7[%dma_wait3A_72, %dma_wait3A_73] : memref<80x128xi32, #tpu.memory_space<vmem>> -> memref<1x128xi32, #tpu.memory_space<vmem>>
    %dma_wait3A_75 = tpu.memref_squeeze %dma_wait3A_74 : memref<1x128xi32, #tpu.memory_space<vmem>> -> memref<128xi32, #tpu.memory_space<vmem>>
    %dma_wait3A_76 = arith.constant 0 : i32
    %dma_wait3A_77 = arith.constant 0 : i32
    %dma_wait3A_78 = tpu.memref_slice %arg12[%dma_wait3A_76, %dma_wait3A_77] : memref<10240x64xf32, #tpu.memory_space<vmem_shared>> -> memref<10240x64xf32, #tpu.memory_space<vmem_shared>>
    tpu.wait_indirect_dma semaphore(%arg19 : memref<!tpu.dma_semaphore, #tpu.memory_space<semaphore_mem>>) src(%arg10 : memref<128x64xf32, #tpu.memory_space<vmem>>) dst(%dma_wait3A_78 : memref<10240x64xf32, #tpu.memory_space<vmem_shared>>)
    %dma_wait3A_79 = arith.constant 79 : i32
    %dma_wait3A_80 = arith.constant 0 : i32
    %dma_wait3A_81 = tpu.memref_slice %arg7[%dma_wait3A_79, %dma_wait3A_80] : memref<80x128xi32, #tpu.memory_space<vmem>> -> memref<1x128xi32, #tpu.memory_space<vmem>>
    %dma_wait3A_82 = tpu.memref_squeeze %dma_wait3A_81 : memref<1x128xi32, #tpu.memory_space<vmem>> -> memref<128xi32, #tpu.memory_space<vmem>>
    %dma_wait3A_83 = arith.constant 0 : i32
    %dma_wait3A_84 = arith.constant 0 : i32
    %dma_wait3A_85 = tpu.memref_slice %arg12[%dma_wait3A_83, %dma_wait3A_84] : memref<10240x64xf32, #tpu.memory_space<vmem_shared>> -> memref<10240x64xf32, #tpu.memory_space<vmem_shared>>
    tpu.wait_indirect_dma semaphore(%arg20 : memref<!tpu.dma_semaphore, #tpu.memory_space<semaphore_mem>>) src(%arg11 : memref<128x64xf32, #tpu.memory_space<vmem>>) dst(%dma_wait3A_85 : memref<10240x64xf32, #tpu.memory_space<vmem_shared>>)
    %barrier3A_86 = arith.constant 0 : index
    tpu.barrier barrier_id(%barrier3A_86)
    %mul3A_87 = arith.constant 640 : i32
    %mul3A_88 = arith.muli %arg1, %mul3A_87 : i32
    %add3A_89 = arith.constant 0 : i32
    %add3A_90 = arith.addi %mul3A_88, %add3A_89 : i32
    "tpu.region"() ({
      %run_scoped3A = tpu.sem_alloc : memref<!tpu.dma_semaphore, #tpu.memory_space<semaphore_mem>>
      %dma_start3A_207 = arith.constant 0 : i32
      %dma_start3A_208 = tpu.memref_slice %arg12[%add3A_90, %dma_start3A_207] : memref<10240x64xf32, #tpu.memory_space<vmem_shared>> -> memref<128x64xf32, #tpu.memory_space<vmem_shared>>
      %dma_start3A_209 = arith.constant 0 : i32
      %dma_start3A_210 = tpu.memref_slice %arg12[%add3A_90, %dma_start3A_209] : memref<10240x64xf32, #tpu.memory_space<vmem_shared>> -> memref<128x64xf32, #tpu.memory_space<vmem_shared>>
      tpu.enqueue_dma source(%dma_start3A_210 : memref<128x64xf32, #tpu.memory_space<vmem_shared>>) target(%arg8 : memref<128x64xf32, #tpu.memory_space<vmem>>) target_semaphore(%run_scoped3A : memref<!tpu.dma_semaphore, #tpu.memory_space<semaphore_mem>>)
      %dma_wait3A_211 = arith.constant 0 : i32
      %dma_wait3A_212 = tpu.memref_slice %arg12[%add3A_90, %dma_wait3A_211] : memref<10240x64xf32, #tpu.memory_space<vmem_shared>> -> memref<128x64xf32, #tpu.memory_space<vmem_shared>>
      %dma_wait3A_213 = arith.constant 0 : i32
      %dma_wait3A_214 = tpu.memref_slice %arg12[%add3A_90, %dma_wait3A_213] : memref<10240x64xf32, #tpu.memory_space<vmem_shared>> -> memref<128x64xf32, #tpu.memory_space<vmem_shared>>
      tpu.wait_dma2 semaphore(%run_scoped3A : memref<!tpu.dma_semaphore, #tpu.memory_space<semaphore_mem>>) src(%dma_wait3A_214 : memref<128x64xf32, #tpu.memory_space<vmem_shared>>) dst(%arg8 : memref<128x64xf32, #tpu.memory_space<vmem>>)
      tpu.yield
    }) : () -> ()
    %mul3A_91 = arith.constant 640 : i32
    %mul3A_92 = arith.muli %arg1, %mul3A_91 : i32
    %add3A_93 = arith.constant 0 : i32
    %add3A_94 = arith.addi %mul3A_92, %add3A_93 : i32
    %dma_start3A_95 = arith.constant 0 : i32
    %dma_start3A_96 = tpu.memref_slice %arg5[%arg0, %add3A_94, %dma_start3A_95] : memref<2x10240x64xf32, #tpu.memory_space<hbm>> -> memref<1x128x64xf32, #tpu.memory_space<hbm>>
    %dma_start3A_97 = tpu.memref_squeeze %dma_start3A_96 : memref<1x128x64xf32, #tpu.memory_space<hbm>> -> memref<128x64xf32, #tpu.memory_space<hbm>>
    %dma_start3A_98 = arith.constant 0 : i32
    %dma_start3A_99 = tpu.memref_slice %arg5[%arg0, %add3A_94, %dma_start3A_98] : memref<2x10240x64xf32, #tpu.memory_space<hbm>> -> memref<1x128x64xf32, #tpu.memory_space<hbm>>
    %dma_start3A_100 = tpu.memref_squeeze %dma_start3A_99 : memref<1x128x64xf32, #tpu.memory_space<hbm>> -> memref<128x64xf32, #tpu.memory_space<hbm>>
    tpu.enqueue_dma source(%arg8 : memref<128x64xf32, #tpu.memory_space<vmem>>) target(%dma_start3A_100 : memref<128x64xf32, #tpu.memory_space<hbm>>) target_semaphore(%arg17 : memref<!tpu.dma_semaphore, #tpu.memory_space<semaphore_mem>>)
    %mul3A_101 = arith.constant 640 : i32
    %mul3A_102 = arith.muli %arg1, %mul3A_101 : i32
    %add3A_103 = arith.constant 128 : i32
    %add3A_104 = arith.addi %mul3A_102, %add3A_103 : i32
    "tpu.region"() ({
      %run_scoped3A = tpu.sem_alloc : memref<!tpu.dma_semaphore, #tpu.memory_space<semaphore_mem>>
      %dma_start3A_207 = arith.constant 0 : i32
      %dma_start3A_208 = tpu.memref_slice %arg12[%add3A_104, %dma_start3A_207] : memref<10240x64xf32, #tpu.memory_space<vmem_shared>> -> memref<128x64xf32, #tpu.memory_space<vmem_shared>>
      %dma_start3A_209 = arith.constant 0 : i32
      %dma_start3A_210 = tpu.memref_slice %arg12[%add3A_104, %dma_start3A_209] : memref<10240x64xf32, #tpu.memory_space<vmem_shared>> -> memref<128x64xf32, #tpu.memory_space<vmem_shared>>
      tpu.enqueue_dma source(%dma_start3A_210 : memref<128x64xf32, #tpu.memory_space<vmem_shared>>) target(%arg9 : memref<128x64xf32, #tpu.memory_space<vmem>>) target_semaphore(%run_scoped3A : memref<!tpu.dma_semaphore, #tpu.memory_space<semaphore_mem>>)
      %dma_wait3A_211 = arith.constant 0 : i32
      %dma_wait3A_212 = tpu.memref_slice %arg12[%add3A_104, %dma_wait3A_211] : memref<10240x64xf32, #tpu.memory_space<vmem_shared>> -> memref<128x64xf32, #tpu.memory_space<vmem_shared>>
      %dma_wait3A_213 = arith.constant 0 : i32
      %dma_wait3A_214 = tpu.memref_slice %arg12[%add3A_104, %dma_wait3A_213] : memref<10240x64xf32, #tpu.memory_space<vmem_shared>> -> memref<128x64xf32, #tpu.memory_space<vmem_shared>>
      tpu.wait_dma2 semaphore(%run_scoped3A : memref<!tpu.dma_semaphore, #tpu.memory_space<semaphore_mem>>) src(%dma_wait3A_214 : memref<128x64xf32, #tpu.memory_space<vmem_shared>>) dst(%arg9 : memref<128x64xf32, #tpu.memory_space<vmem>>)
      tpu.yield
    }) : () -> ()
    %mul3A_105 = arith.constant 640 : i32
    %mul3A_106 = arith.muli %arg1, %mul3A_105 : i32
    %add3A_107 = arith.constant 128 : i32
    %add3A_108 = arith.addi %mul3A_106, %add3A_107 : i32
    %dma_start3A_109 = arith.constant 0 : i32
    %dma_start3A_110 = tpu.memref_slice %arg5[%arg0, %add3A_108, %dma_start3A_109] : memref<2x10240x64xf32, #tpu.memory_space<hbm>> -> memref<1x128x64xf32, #tpu.memory_space<hbm>>
    %dma_start3A_111 = tpu.memref_squeeze %dma_start3A_110 : memref<1x128x64xf32, #tpu.memory_space<hbm>> -> memref<128x64xf32, #tpu.memory_space<hbm>>
    %dma_start3A_112 = arith.constant 0 : i32
    %dma_start3A_113 = tpu.memref_slice %arg5[%arg0, %add3A_108, %dma_start3A_112] : memref<2x10240x64xf32, #tpu.memory_space<hbm>> -> memref<1x128x64xf32, #tpu.memory_space<hbm>>
    %dma_start3A_114 = tpu.memref_squeeze %dma_start3A_113 : memref<1x128x64xf32, #tpu.memory_space<hbm>> -> memref<128x64xf32, #tpu.memory_space<hbm>>
    tpu.enqueue_dma source(%arg9 : memref<128x64xf32, #tpu.memory_space<vmem>>) target(%dma_start3A_114 : memref<128x64xf32, #tpu.memory_space<hbm>>) target_semaphore(%arg18 : memref<!tpu.dma_semaphore, #tpu.memory_space<semaphore_mem>>)
    %mul3A_115 = arith.constant 640 : i32
    %mul3A_116 = arith.muli %arg1, %mul3A_115 : i32
    %add3A_117 = arith.constant 256 : i32
    %add3A_118 = arith.addi %mul3A_116, %add3A_117 : i32
    "tpu.region"() ({
      %run_scoped3A = tpu.sem_alloc : memref<!tpu.dma_semaphore, #tpu.memory_space<semaphore_mem>>
      %dma_start3A_207 = arith.constant 0 : i32
      %dma_start3A_208 = tpu.memref_slice %arg12[%add3A_118, %dma_start3A_207] : memref<10240x64xf32, #tpu.memory_space<vmem_shared>> -> memref<128x64xf32, #tpu.memory_space<vmem_shared>>
      %dma_start3A_209 = arith.constant 0 : i32
      %dma_start3A_210 = tpu.memref_slice %arg12[%add3A_118, %dma_start3A_209] : memref<10240x64xf32, #tpu.memory_space<vmem_shared>> -> memref<128x64xf32, #tpu.memory_space<vmem_shared>>
      tpu.enqueue_dma source(%dma_start3A_210 : memref<128x64xf32, #tpu.memory_space<vmem_shared>>) target(%arg10 : memref<128x64xf32, #tpu.memory_space<vmem>>) target_semaphore(%run_scoped3A : memref<!tpu.dma_semaphore, #tpu.memory_space<semaphore_mem>>)
      %dma_wait3A_211 = arith.constant 0 : i32
      %dma_wait3A_212 = tpu.memref_slice %arg12[%add3A_118, %dma_wait3A_211] : memref<10240x64xf32, #tpu.memory_space<vmem_shared>> -> memref<128x64xf32, #tpu.memory_space<vmem_shared>>
      %dma_wait3A_213 = arith.constant 0 : i32
      %dma_wait3A_214 = tpu.memref_slice %arg12[%add3A_118, %dma_wait3A_213] : memref<10240x64xf32, #tpu.memory_space<vmem_shared>> -> memref<128x64xf32, #tpu.memory_space<vmem_shared>>
      tpu.wait_dma2 semaphore(%run_scoped3A : memref<!tpu.dma_semaphore, #tpu.memory_space<semaphore_mem>>) src(%dma_wait3A_214 : memref<128x64xf32, #tpu.memory_space<vmem_shared>>) dst(%arg10 : memref<128x64xf32, #tpu.memory_space<vmem>>)
      tpu.yield
    }) : () -> ()
    %mul3A_119 = arith.constant 640 : i32
    %mul3A_120 = arith.muli %arg1, %mul3A_119 : i32
    %add3A_121 = arith.constant 256 : i32
    %add3A_122 = arith.addi %mul3A_120, %add3A_121 : i32
    %dma_start3A_123 = arith.constant 0 : i32
    %dma_start3A_124 = tpu.memref_slice %arg5[%arg0, %add3A_122, %dma_start3A_123] : memref<2x10240x64xf32, #tpu.memory_space<hbm>> -> memref<1x128x64xf32, #tpu.memory_space<hbm>>
    %dma_start3A_125 = tpu.memref_squeeze %dma_start3A_124 : memref<1x128x64xf32, #tpu.memory_space<hbm>> -> memref<128x64xf32, #tpu.memory_space<hbm>>
    %dma_start3A_126 = arith.constant 0 : i32
    %dma_start3A_127 = tpu.memref_slice %arg5[%arg0, %add3A_122, %dma_start3A_126] : memref<2x10240x64xf32, #tpu.memory_space<hbm>> -> memref<1x128x64xf32, #tpu.memory_space<hbm>>
    %dma_start3A_128 = tpu.memref_squeeze %dma_start3A_127 : memref<1x128x64xf32, #tpu.memory_space<hbm>> -> memref<128x64xf32, #tpu.memory_space<hbm>>
    tpu.enqueue_dma source(%arg10 : memref<128x64xf32, #tpu.memory_space<vmem>>) target(%dma_start3A_128 : memref<128x64xf32, #tpu.memory_space<hbm>>) target_semaphore(%arg19 : memref<!tpu.dma_semaphore, #tpu.memory_space<semaphore_mem>>)
    %mul3A_129 = arith.constant 640 : i32
    %mul3A_130 = arith.muli %arg1, %mul3A_129 : i32
    %add3A_131 = arith.constant 384 : i32
    %add3A_132 = arith.addi %mul3A_130, %add3A_131 : i32
    "tpu.region"() ({
      %run_scoped3A = tpu.sem_alloc : memref<!tpu.dma_semaphore, #tpu.memory_space<semaphore_mem>>
      %dma_start3A_207 = arith.constant 0 : i32
      %dma_start3A_208 = tpu.memref_slice %arg12[%add3A_132, %dma_start3A_207] : memref<10240x64xf32, #tpu.memory_space<vmem_shared>> -> memref<128x64xf32, #tpu.memory_space<vmem_shared>>
      %dma_start3A_209 = arith.constant 0 : i32
      %dma_start3A_210 = tpu.memref_slice %arg12[%add3A_132, %dma_start3A_209] : memref<10240x64xf32, #tpu.memory_space<vmem_shared>> -> memref<128x64xf32, #tpu.memory_space<vmem_shared>>
      tpu.enqueue_dma source(%dma_start3A_210 : memref<128x64xf32, #tpu.memory_space<vmem_shared>>) target(%arg11 : memref<128x64xf32, #tpu.memory_space<vmem>>) target_semaphore(%run_scoped3A : memref<!tpu.dma_semaphore, #tpu.memory_space<semaphore_mem>>)
      %dma_wait3A_211 = arith.constant 0 : i32
      %dma_wait3A_212 = tpu.memref_slice %arg12[%add3A_132, %dma_wait3A_211] : memref<10240x64xf32, #tpu.memory_space<vmem_shared>> -> memref<128x64xf32, #tpu.memory_space<vmem_shared>>
      %dma_wait3A_213 = arith.constant 0 : i32
      %dma_wait3A_214 = tpu.memref_slice %arg12[%add3A_132, %dma_wait3A_213] : memref<10240x64xf32, #tpu.memory_space<vmem_shared>> -> memref<128x64xf32, #tpu.memory_space<vmem_shared>>
      tpu.wait_dma2 semaphore(%run_scoped3A : memref<!tpu.dma_semaphore, #tpu.memory_space<semaphore_mem>>) src(%dma_wait3A_214 : memref<128x64xf32, #tpu.memory_space<vmem_shared>>) dst(%arg11 : memref<128x64xf32, #tpu.memory_space<vmem>>)
      tpu.yield
    }) : () -> ()
    %mul3A_133 = arith.constant 640 : i32
    %mul3A_134 = arith.muli %arg1, %mul3A_133 : i32
    %add3A_135 = arith.constant 384 : i32
    %add3A_136 = arith.addi %mul3A_134, %add3A_135 : i32
    %dma_start3A_137 = arith.constant 0 : i32
    %dma_start3A_138 = tpu.memref_slice %arg5[%arg0, %add3A_136, %dma_start3A_137] : memref<2x10240x64xf32, #tpu.memory_space<hbm>> -> memref<1x128x64xf32, #tpu.memory_space<hbm>>
    %dma_start3A_139 = tpu.memref_squeeze %dma_start3A_138 : memref<1x128x64xf32, #tpu.memory_space<hbm>> -> memref<128x64xf32, #tpu.memory_space<hbm>>
    %dma_start3A_140 = arith.constant 0 : i32
    %dma_start3A_141 = tpu.memref_slice %arg5[%arg0, %add3A_136, %dma_start3A_140] : memref<2x10240x64xf32, #tpu.memory_space<hbm>> -> memref<1x128x64xf32, #tpu.memory_space<hbm>>
    %dma_start3A_142 = tpu.memref_squeeze %dma_start3A_141 : memref<1x128x64xf32, #tpu.memory_space<hbm>> -> memref<128x64xf32, #tpu.memory_space<hbm>>
    tpu.enqueue_dma source(%arg11 : memref<128x64xf32, #tpu.memory_space<vmem>>) target(%dma_start3A_142 : memref<128x64xf32, #tpu.memory_space<hbm>>) target_semaphore(%arg20 : memref<!tpu.dma_semaphore, #tpu.memory_space<semaphore_mem>>)
    %mul3A_143 = arith.constant 640 : i32
    %mul3A_144 = arith.muli %arg1, %mul3A_143 : i32
    %add3A_145 = arith.constant 0 : i32
    %add3A_146 = arith.addi %mul3A_144, %add3A_145 : i32
    %dma_wait3A_147 = arith.constant 0 : i32
    %dma_wait3A_148 = tpu.memref_slice %arg5[%arg0, %add3A_146, %dma_wait3A_147] : memref<2x10240x64xf32, #tpu.memory_space<hbm>> -> memref<1x128x64xf32, #tpu.memory_space<hbm>>
    %dma_wait3A_149 = tpu.memref_squeeze %dma_wait3A_148 : memref<1x128x64xf32, #tpu.memory_space<hbm>> -> memref<128x64xf32, #tpu.memory_space<hbm>>
    %dma_wait3A_150 = arith.constant 0 : i32
    %dma_wait3A_151 = tpu.memref_slice %arg5[%arg0, %add3A_146, %dma_wait3A_150] : memref<2x10240x64xf32, #tpu.memory_space<hbm>> -> memref<1x128x64xf32, #tpu.memory_space<hbm>>
    %dma_wait3A_152 = tpu.memref_squeeze %dma_wait3A_151 : memref<1x128x64xf32, #tpu.memory_space<hbm>> -> memref<128x64xf32, #tpu.memory_space<hbm>>
    tpu.wait_dma2 semaphore(%arg17 : memref<!tpu.dma_semaphore, #tpu.memory_space<semaphore_mem>>) src(%arg8 : memref<128x64xf32, #tpu.memory_space<vmem>>) dst(%dma_wait3A_152 : memref<128x64xf32, #tpu.memory_space<hbm>>)
    %mul3A_153 = arith.constant 640 : i32
    %mul3A_154 = arith.muli %arg1, %mul3A_153 : i32
    %add3A_155 = arith.constant 512 : i32
    %add3A_156 = arith.addi %mul3A_154, %add3A_155 : i32
    "tpu.region"() ({
      %run_scoped3A = tpu.sem_alloc : memref<!tpu.dma_semaphore, #tpu.memory_space<semaphore_mem>>
      %dma_start3A_207 = arith.constant 0 : i32
      %dma_start3A_208 = tpu.memref_slice %arg12[%add3A_156, %dma_start3A_207] : memref<10240x64xf32, #tpu.memory_space<vmem_shared>> -> memref<128x64xf32, #tpu.memory_space<vmem_shared>>
      %dma_start3A_209 = arith.constant 0 : i32
      %dma_start3A_210 = tpu.memref_slice %arg12[%add3A_156, %dma_start3A_209] : memref<10240x64xf32, #tpu.memory_space<vmem_shared>> -> memref<128x64xf32, #tpu.memory_space<vmem_shared>>
      tpu.enqueue_dma source(%dma_start3A_210 : memref<128x64xf32, #tpu.memory_space<vmem_shared>>) target(%arg8 : memref<128x64xf32, #tpu.memory_space<vmem>>) target_semaphore(%run_scoped3A : memref<!tpu.dma_semaphore, #tpu.memory_space<semaphore_mem>>)
      %dma_wait3A_211 = arith.constant 0 : i32
      %dma_wait3A_212 = tpu.memref_slice %arg12[%add3A_156, %dma_wait3A_211] : memref<10240x64xf32, #tpu.memory_space<vmem_shared>> -> memref<128x64xf32, #tpu.memory_space<vmem_shared>>
      %dma_wait3A_213 = arith.constant 0 : i32
      %dma_wait3A_214 = tpu.memref_slice %arg12[%add3A_156, %dma_wait3A_213] : memref<10240x64xf32, #tpu.memory_space<vmem_shared>> -> memref<128x64xf32, #tpu.memory_space<vmem_shared>>
      tpu.wait_dma2 semaphore(%run_scoped3A : memref<!tpu.dma_semaphore, #tpu.memory_space<semaphore_mem>>) src(%dma_wait3A_214 : memref<128x64xf32, #tpu.memory_space<vmem_shared>>) dst(%arg8 : memref<128x64xf32, #tpu.memory_space<vmem>>)
      tpu.yield
    }) : () -> ()
    %mul3A_157 = arith.constant 640 : i32
    %mul3A_158 = arith.muli %arg1, %mul3A_157 : i32
    %add3A_159 = arith.constant 512 : i32
    %add3A_160 = arith.addi %mul3A_158, %add3A_159 : i32
    %dma_start3A_161 = arith.constant 0 : i32
    %dma_start3A_162 = tpu.memref_slice %arg5[%arg0, %add3A_160, %dma_start3A_161] : memref<2x10240x64xf32, #tpu.memory_space<hbm>> -> memref<1x128x64xf32, #tpu.memory_space<hbm>>
    %dma_start3A_163 = tpu.memref_squeeze %dma_start3A_162 : memref<1x128x64xf32, #tpu.memory_space<hbm>> -> memref<128x64xf32, #tpu.memory_space<hbm>>
    %dma_start3A_164 = arith.constant 0 : i32
    %dma_start3A_165 = tpu.memref_slice %arg5[%arg0, %add3A_160, %dma_start3A_164] : memref<2x10240x64xf32, #tpu.memory_space<hbm>> -> memref<1x128x64xf32, #tpu.memory_space<hbm>>
    %dma_start3A_166 = tpu.memref_squeeze %dma_start3A_165 : memref<1x128x64xf32, #tpu.memory_space<hbm>> -> memref<128x64xf32, #tpu.memory_space<hbm>>
    tpu.enqueue_dma source(%arg8 : memref<128x64xf32, #tpu.memory_space<vmem>>) target(%dma_start3A_166 : memref<128x64xf32, #tpu.memory_space<hbm>>) target_semaphore(%arg17 : memref<!tpu.dma_semaphore, #tpu.memory_space<semaphore_mem>>)
    %mul3A_167 = arith.constant 640 : i32
    %mul3A_168 = arith.muli %arg1, %mul3A_167 : i32
    %add3A_169 = arith.constant 512 : i32
    %add3A_170 = arith.addi %mul3A_168, %add3A_169 : i32
    %dma_wait3A_171 = arith.constant 0 : i32
    %dma_wait3A_172 = tpu.memref_slice %arg5[%arg0, %add3A_170, %dma_wait3A_171] : memref<2x10240x64xf32, #tpu.memory_space<hbm>> -> memref<1x128x64xf32, #tpu.memory_space<hbm>>
    %dma_wait3A_173 = tpu.memref_squeeze %dma_wait3A_172 : memref<1x128x64xf32, #tpu.memory_space<hbm>> -> memref<128x64xf32, #tpu.memory_space<hbm>>
    %dma_wait3A_174 = arith.constant 0 : i32
    %dma_wait3A_175 = tpu.memref_slice %arg5[%arg0, %add3A_170, %dma_wait3A_174] : memref<2x10240x64xf32, #tpu.memory_space<hbm>> -> memref<1x128x64xf32, #tpu.memory_space<hbm>>
    %dma_wait3A_176 = tpu.memref_squeeze %dma_wait3A_175 : memref<1x128x64xf32, #tpu.memory_space<hbm>> -> memref<128x64xf32, #tpu.memory_space<hbm>>
    tpu.wait_dma2 semaphore(%arg17 : memref<!tpu.dma_semaphore, #tpu.memory_space<semaphore_mem>>) src(%arg8 : memref<128x64xf32, #tpu.memory_space<vmem>>) dst(%dma_wait3A_176 : memref<128x64xf32, #tpu.memory_space<hbm>>)
    %mul3A_177 = arith.constant 640 : i32
    %mul3A_178 = arith.muli %arg1, %mul3A_177 : i32
    %add3A_179 = arith.constant 128 : i32
    %add3A_180 = arith.addi %mul3A_178, %add3A_179 : i32
    %dma_wait3A_181 = arith.constant 0 : i32
    %dma_wait3A_182 = tpu.memref_slice %arg5[%arg0, %add3A_180, %dma_wait3A_181] : memref<2x10240x64xf32, #tpu.memory_space<hbm>> -> memref<1x128x64xf32, #tpu.memory_space<hbm>>
    %dma_wait3A_183 = tpu.memref_squeeze %dma_wait3A_182 : memref<1x128x64xf32, #tpu.memory_space<hbm>> -> memref<128x64xf32, #tpu.memory_space<hbm>>
    %dma_wait3A_184 = arith.constant 0 : i32
    %dma_wait3A_185 = tpu.memref_slice %arg5[%arg0, %add3A_180, %dma_wait3A_184] : memref<2x10240x64xf32, #tpu.memory_space<hbm>> -> memref<1x128x64xf32, #tpu.memory_space<hbm>>
    %dma_wait3A_186 = tpu.memref_squeeze %dma_wait3A_185 : memref<1x128x64xf32, #tpu.memory_space<hbm>> -> memref<128x64xf32, #tpu.memory_space<hbm>>
    tpu.wait_dma2 semaphore(%arg18 : memref<!tpu.dma_semaphore, #tpu.memory_space<semaphore_mem>>) src(%arg9 : memref<128x64xf32, #tpu.memory_space<vmem>>) dst(%dma_wait3A_186 : memref<128x64xf32, #tpu.memory_space<hbm>>)
    %mul3A_187 = arith.constant 640 : i32
    %mul3A_188 = arith.muli %arg1, %mul3A_187 : i32
    %add3A_189 = arith.constant 256 : i32
    %add3A_190 = arith.addi %mul3A_188, %add3A_189 : i32
    %dma_wait3A_191 = arith.constant 0 : i32
    %dma_wait3A_192 = tpu.memref_slice %arg5[%arg0, %add3A_190, %dma_wait3A_191] : memref<2x10240x64xf32, #tpu.memory_space<hbm>> -> memref<1x128x64xf32, #tpu.memory_space<hbm>>
    %dma_wait3A_193 = tpu.memref_squeeze %dma_wait3A_192 : memref<1x128x64xf32, #tpu.memory_space<hbm>> -> memref<128x64xf32, #tpu.memory_space<hbm>>
    %dma_wait3A_194 = arith.constant 0 : i32
    %dma_wait3A_195 = tpu.memref_slice %arg5[%arg0, %add3A_190, %dma_wait3A_194] : memref<2x10240x64xf32, #tpu.memory_space<hbm>> -> memref<1x128x64xf32, #tpu.memory_space<hbm>>
    %dma_wait3A_196 = tpu.memref_squeeze %dma_wait3A_195 : memref<1x128x64xf32, #tpu.memory_space<hbm>> -> memref<128x64xf32, #tpu.memory_space<hbm>>
    tpu.wait_dma2 semaphore(%arg19 : memref<!tpu.dma_semaphore, #tpu.memory_space<semaphore_mem>>) src(%arg10 : memref<128x64xf32, #tpu.memory_space<vmem>>) dst(%dma_wait3A_196 : memref<128x64xf32, #tpu.memory_space<hbm>>)
    %mul3A_197 = arith.constant 640 : i32
    %mul3A_198 = arith.muli %arg1, %mul3A_197 : i32
    %add3A_199 = arith.constant 384 : i32
    %add3A_200 = arith.addi %mul3A_198, %add3A_199 : i32
    %dma_wait3A_201 = arith.constant 0 : i32
    %dma_wait3A_202 = tpu.memref_slice %arg5[%arg0, %add3A_200, %dma_wait3A_201] : memref<2x10240x64xf32, #tpu.memory_space<hbm>> -> memref<1x128x64xf32, #tpu.memory_space<hbm>>
    %dma_wait3A_203 = tpu.memref_squeeze %dma_wait3A_202 : memref<1x128x64xf32, #tpu.memory_space<hbm>> -> memref<128x64xf32, #tpu.memory_space<hbm>>
    %dma_wait3A_204 = arith.constant 0 : i32
    %dma_wait3A_205 = tpu.memref_slice %arg5[%arg0, %add3A_200, %dma_wait3A_204] : memref<2x10240x64xf32, #tpu.memory_space<hbm>> -> memref<1x128x64xf32, #tpu.memory_space<hbm>>
    %dma_wait3A_206 = tpu.memref_squeeze %dma_wait3A_205 : memref<1x128x64xf32, #tpu.memory_space<hbm>> -> memref<128x64xf32, #tpu.memory_space<hbm>>
    tpu.wait_dma2 semaphore(%arg20 : memref<!tpu.dma_semaphore, #tpu.memory_space<semaphore_mem>>) src(%arg11 : memref<128x64xf32, #tpu.memory_space<vmem>>) dst(%dma_wait3A_206 : memref<128x64xf32, #tpu.memory_space<hbm>>)
    return
  }
}

module attributes {stable_mosaic.version = 14 : i64} {
  func.func @_tc_scale_kernel(%arg0: memref<10000x128xf32, #tpu.memory_space<vmem>>, %arg1: memref<128x64xf32, #tpu.memory_space<vmem>>, %arg2: memref<10240x2xf32, #tpu.memory_space<vmem>>, %arg3: memref<10000x64xf32, #tpu.memory_space<vmem>>) attributes {dimension_semantics = [], scalar_prefetch = 0 : i64, scratch_operands = 0 : i64, tpu.core_type = #tpu.core_type<tc>} {
    %get3A = arith.constant 0 : index
    %get3A_0 = arith.constant 0 : index
    %get3A_1 = vector.load %arg2[%get3A, %get3A_0] : memref<10240x2xf32, #tpu.memory_space<vmem>>, vector<10240x2xf32>
    %reduce_sum3A = arith.constant dense<0.000000e+00> : vector<10240xf32>
    %reduce_sum3A_2 = vector.multi_reduction <add>, %get3A_1, %reduce_sum3A [1] : vector<10240x2xf32> to vector<10240xf32>
    %broadcast_in_dim3A = vector.shape_cast %reduce_sum3A_2 : vector<10240xf32> to vector<10240x1xf32>
    %slice3A = vector.extract_strided_slice %broadcast_in_dim3A {offsets = [0, 0], sizes = [10000, 1], strides = [1, 1]} : vector<10240x1xf32> to vector<10000x1xf32>
    %add3A = arith.constant 1.000000e+00 : f32
    %add3A_3 = vector.broadcast %add3A : f32 to vector<10000x1xf32>
    %add3A_4 = arith.addf %slice3A, %add3A_3 : vector<10000x1xf32>
    %rsqrt3A = math.rsqrt %add3A_4 : vector<10000x1xf32>
    %get3A_5 = arith.constant 0 : index
    %get3A_6 = arith.constant 0 : index
    %get3A_7 = vector.load %arg0[%get3A_5, %get3A_6] : memref<10000x128xf32, #tpu.memory_space<vmem>>, vector<10000x128xf32>
    %get3A_8 = arith.constant 0 : index
    %get3A_9 = arith.constant 0 : index
    %get3A_10 = vector.load %arg1[%get3A_8, %get3A_9] : memref<128x64xf32, #tpu.memory_space<vmem>>, vector<128x64xf32>
    %dot_general3A = arith.constant dense<0.000000e+00> : vector<10000x64xf32>
    %dot_general3A_11 = tpu.matmul %get3A_7, %get3A_10, %dot_general3A {dimension_numbers = #tpu.dot_dimension_numbers<[1], [0], [0], [1], [0, 0, 1, 1], [], []>, transpose_lhs_hint = false} : vector<10000x128xf32>, vector<128x64xf32>, vector<10000x64xf32> -> vector<10000x64xf32>
    %mul3A = vector.broadcast %rsqrt3A : vector<10000x1xf32> to vector<10000x64xf32>
    %mul3A_12 = arith.mulf %dot_general3A_11, %mul3A : vector<10000x64xf32>
    %swap3A = arith.constant 0 : index
    %swap3A_13 = arith.constant 0 : index
    %swap3A_14 = vector.load %arg3[%swap3A, %swap3A_13] : memref<10000x64xf32, #tpu.memory_space<vmem>>, vector<10000x64xf32>
    tpu.vector_store %arg3[%swap3A, %swap3A_13], %mul3A_12 {strides = array<i32>} : memref<10000x64xf32, #tpu.memory_space<vmem>>, vector<10000x64xf32>,
    return
  }
}

module attributes {stable_mosaic.version = 14 : i64} {
  func.func @_tc_final_kernel(%arg0: memref<2x10240x64xf32, #tpu.memory_space<vmem>>, %arg1: memref<10000x64xf32, #tpu.memory_space<vmem>>, %arg2: memref<10240x2xf32, #tpu.memory_space<vmem>>, %arg3: memref<1x10000xi32, #tpu.memory_space<vmem>>, %arg4: memref<1x64xf32, #tpu.memory_space<vmem>>, %arg5: memref<1x64xf32, #tpu.memory_space<vmem>>, %arg6: memref<1x64xf32, #tpu.memory_space<vmem>>, %arg7: memref<64x10xf32, #tpu.memory_space<vmem>>, %arg8: memref<1x10xf32, #tpu.memory_space<vmem>>, %arg9: memref<64x10xf32, #tpu.memory_space<vmem>>) attributes {dimension_semantics = [], scalar_prefetch = 0 : i64, scratch_operands = 0 : i64, tpu.core_type = #tpu.core_type<tc>} {
    %get3A = arith.constant 0 : index
    %get3A_0 = arith.constant 0 : index
    %get3A_1 = arith.constant 0 : index
    %get3A_2 = vector.load %arg0[%get3A, %get3A_0, %get3A_1] : memref<2x10240x64xf32, #tpu.memory_space<vmem>>, vector<1x10240x64xf32>
    %get3A_3 = vector.shape_cast %get3A_2 : vector<1x10240x64xf32> to vector<10240x64xf32>
    %get3A_4 = arith.constant 1 : index
    %get3A_5 = arith.constant 0 : index
    %get3A_6 = arith.constant 0 : index
    %get3A_7 = vector.load %arg0[%get3A_4, %get3A_5, %get3A_6] : memref<2x10240x64xf32, #tpu.memory_space<vmem>>, vector<1x10240x64xf32>
    %get3A_8 = vector.shape_cast %get3A_7 : vector<1x10240x64xf32> to vector<10240x64xf32>
    %add3A = arith.addf %get3A_3, %get3A_8 : vector<10240x64xf32>
    %get3A_9 = arith.constant 0 : index
    %get3A_10 = arith.constant 0 : index
    %get3A_11 = vector.load %arg1[%get3A_9, %get3A_10] : memref<10000x64xf32, #tpu.memory_space<vmem>>, vector<10000x64xf32>
    %slice3A = vector.extract_strided_slice %add3A {offsets = [0, 0], sizes = [10000, 64], strides = [1, 1]} : vector<10240x64xf32> to vector<10000x64xf32>
    %add3A_12 = arith.addf %slice3A, %get3A_11 : vector<10000x64xf32>
    %get3A_13 = arith.constant 0 : index
    %get3A_14 = arith.constant 0 : index
    %get3A_15 = vector.load %arg2[%get3A_13, %get3A_14] : memref<10240x2xf32, #tpu.memory_space<vmem>>, vector<10240x2xf32>
    %reduce_sum3A = arith.constant dense<0.000000e+00> : vector<10240xf32>
    %reduce_sum3A_16 = vector.multi_reduction <add>, %get3A_15, %reduce_sum3A [1] : vector<10240x2xf32> to vector<10240xf32>
    %broadcast_in_dim3A = vector.shape_cast %reduce_sum3A_16 : vector<10240xf32> to vector<10240x1xf32>
    %slice3A_17 = vector.extract_strided_slice %broadcast_in_dim3A {offsets = [0, 0], sizes = [10000, 1], strides = [1, 1]} : vector<10240x1xf32> to vector<10000x1xf32>
    %add3A_18 = arith.constant 1.000000e+00 : f32
    %add3A_19 = vector.broadcast %add3A_18 : f32 to vector<10000x1xf32>
    %add3A_20 = arith.addf %slice3A_17, %add3A_19 : vector<10000x1xf32>
    %rsqrt3A = math.rsqrt %add3A_20 : vector<10000x1xf32>
    %mul3A = vector.broadcast %rsqrt3A : vector<10000x1xf32> to vector<10000x64xf32>
    %mul3A_21 = arith.mulf %add3A_12, %mul3A : vector<10000x64xf32>
    %get3A_22 = arith.constant 0 : index
    %get3A_23 = arith.constant 0 : index
    %get3A_24 = vector.load %arg4[%get3A_22, %get3A_23] : memref<1x64xf32, #tpu.memory_space<vmem>>, vector<1x64xf32>
    %add3A_25 = vector.broadcast %get3A_24 : vector<1x64xf32> to vector<10000x64xf32>
    %add3A_26 = arith.addf %mul3A_21, %add3A_25 : vector<10000x64xf32>
    %reduce_sum3A_27 = arith.constant dense<0.000000e+00> : vector<64xf32>
    %reduce_sum3A_28 = vector.multi_reduction <add>, %add3A_26, %reduce_sum3A_27 [0] : vector<10000x64xf32> to vector<64xf32>
    %broadcast_in_dim3A_29 = vector.shape_cast %reduce_sum3A_28 : vector<64xf32> to vector<1x64xf32>
    %div3A = arith.constant 1.000000e+04 : f32
    %div3A_30 = vector.broadcast %div3A : f32 to vector<1x64xf32>
    %div3A_31 = arith.divf %broadcast_in_dim3A_29, %div3A_30 : vector<1x64xf32>
    %sub3A = vector.broadcast %div3A_31 : vector<1x64xf32> to vector<10000x64xf32>
    %sub3A_32 = arith.subf %add3A_26, %sub3A : vector<10000x64xf32>
    %mul3A_33 = arith.mulf %sub3A_32, %sub3A_32 : vector<10000x64xf32>
    %reduce_sum3A_34 = arith.constant dense<0.000000e+00> : vector<64xf32>
    %reduce_sum3A_35 = vector.multi_reduction <add>, %mul3A_33, %reduce_sum3A_34 [0] : vector<10000x64xf32> to vector<64xf32>
    %broadcast_in_dim3A_36 = vector.shape_cast %reduce_sum3A_35 : vector<64xf32> to vector<1x64xf32>
    %div3A_37 = arith.constant 1.000000e+04 : f32
    %div3A_38 = vector.broadcast %div3A_37 : f32 to vector<1x64xf32>
    %div3A_39 = arith.divf %broadcast_in_dim3A_36, %div3A_38 : vector<1x64xf32>
    %add3A_40 = arith.constant 9.99999974E-6 : f32
    %add3A_41 = vector.broadcast %add3A_40 : f32 to vector<1x64xf32>
    %add3A_42 = arith.addf %div3A_39, %add3A_41 : vector<1x64xf32>
    %rsqrt3A_43 = math.rsqrt %add3A_42 : vector<1x64xf32>
    %mul3A_44 = vector.broadcast %rsqrt3A_43 : vector<1x64xf32> to vector<10000x64xf32>
    %mul3A_45 = arith.mulf %sub3A_32, %mul3A_44 : vector<10000x64xf32>
    %get3A_46 = arith.constant 0 : index
    %get3A_47 = arith.constant 0 : index
    %get3A_48 = vector.load %arg5[%get3A_46, %get3A_47] : memref<1x64xf32, #tpu.memory_space<vmem>>, vector<1x64xf32>
    %mul3A_49 = vector.broadcast %get3A_48 : vector<1x64xf32> to vector<10000x64xf32>
    %mul3A_50 = arith.mulf %mul3A_45, %mul3A_49 : vector<10000x64xf32>
    %get3A_51 = arith.constant 0 : index
    %get3A_52 = arith.constant 0 : index
    %get3A_53 = vector.load %arg6[%get3A_51, %get3A_52] : memref<1x64xf32, #tpu.memory_space<vmem>>, vector<1x64xf32>
    %add3A_54 = vector.broadcast %get3A_53 : vector<1x64xf32> to vector<10000x64xf32>
    %add3A_55 = arith.addf %mul3A_50, %add3A_54 : vector<10000x64xf32>
    %max3A = arith.constant 0.000000e+00 : f32
    %max3A_56 = vector.broadcast %max3A : f32 to vector<10000x64xf32>
    %max3A_57 = arith.maximumf %add3A_55, %max3A_56 : vector<10000x64xf32>
    %iota3A = tpu.iota {dimensions = array<i32: 0>} : vector<64x10000xi32>
    %get3A_58 = arith.constant 0 : index
    %get3A_59 = arith.constant 0 : index
    %get3A_60 = vector.load %arg3[%get3A_58, %get3A_59] : memref<1x10000xi32, #tpu.memory_space<vmem>>, vector<1x10000xi32>
    %eq3A = vector.broadcast %get3A_60 : vector<1x10000xi32> to vector<64x10000xi32>
    %eq3A_61 = arith.cmpi eq, %eq3A, %iota3A : vector<64x10000xi32>
    %convert_element_type3A = arith.extui %eq3A_61 : vector<64x10000xi1> to vector<64x10000xi32>
    %convert_element_type3A_62 = arith.sitofp %convert_element_type3A : vector<64x10000xi32> to vector<64x10000xf32>
    %dot_general3A = arith.constant dense<0.000000e+00> : vector<64x64xf32>
    %dot_general3A_63 = tpu.matmul %convert_element_type3A_62, %max3A_57, %dot_general3A {dimension_numbers = #tpu.dot_dimension_numbers<[1], [0], [0], [1], [0, 0, 1, 1], [], []>, transpose_lhs_hint = false} : vector<64x10000xf32>, vector<10000x64xf32>, vector<64x64xf32> -> vector<64x64xf32>
    %get3A_64 = arith.constant 0 : index
    %get3A_65 = arith.constant 0 : index
    %get3A_66 = vector.load %arg7[%get3A_64, %get3A_65] : memref<64x10xf32, #tpu.memory_space<vmem>>, vector<64x10xf32>
    %dot_general3A_67 = arith.constant dense<0.000000e+00> : vector<64x10xf32>
    %dot_general3A_68 = tpu.matmul %dot_general3A_63, %get3A_66, %dot_general3A_67 {dimension_numbers = #tpu.dot_dimension_numbers<[1], [0], [0], [1], [0, 0, 1, 1], [], []>, transpose_lhs_hint = false} : vector<64x64xf32>, vector<64x10xf32>, vector<64x10xf32> -> vector<64x10xf32>
    %get3A_69 = arith.constant 0 : index
    %get3A_70 = arith.constant 0 : index
    %get3A_71 = vector.load %arg8[%get3A_69, %get3A_70] : memref<1x10xf32, #tpu.memory_space<vmem>>, vector<1x10xf32>
    %add3A_72 = vector.broadcast %get3A_71 : vector<1x10xf32> to vector<64x10xf32>
    %add3A_73 = arith.addf %dot_general3A_68, %add3A_72 : vector<64x10xf32>
    %reduce_max3A = arith.constant dense<0xFF800000> : vector<64xf32>
    %reduce_max3A_74 = vector.multi_reduction <maximumf>, %add3A_73, %reduce_max3A [1] : vector<64x10xf32> to vector<64xf32>
    %broadcast_in_dim3A_75 = vector.shape_cast %reduce_max3A_74 : vector<64xf32> to vector<64x1xf32>
    %sub3A_76 = vector.broadcast %broadcast_in_dim3A_75 : vector<64x1xf32> to vector<64x10xf32>
    %sub3A_77 = arith.subf %add3A_73, %sub3A_76 : vector<64x10xf32>
    %exp3A = math.exp %sub3A_77 : vector<64x10xf32>
    %reduce_sum3A_78 = arith.constant dense<0.000000e+00> : vector<64xf32>
    %reduce_sum3A_79 = vector.multi_reduction <add>, %exp3A, %reduce_sum3A_78 [1] : vector<64x10xf32> to vector<64xf32>
    %broadcast_in_dim3A_80 = vector.shape_cast %reduce_sum3A_79 : vector<64xf32> to vector<64x1xf32>
    %log3A = math.log %broadcast_in_dim3A_80 : vector<64x1xf32>
    %add3A_81 = arith.addf %log3A, %broadcast_in_dim3A_75 : vector<64x1xf32>
    %sub3A_82 = vector.broadcast %add3A_81 : vector<64x1xf32> to vector<64x10xf32>
    %sub3A_83 = arith.subf %add3A_73, %sub3A_82 : vector<64x10xf32>
    %swap3A = arith.constant 0 : index
    %swap3A_84 = arith.constant 0 : index
    %swap3A_85 = vector.load %arg9[%swap3A, %swap3A_84] : memref<64x10xf32, #tpu.memory_space<vmem>>, vector<64x10xf32>
    tpu.vector_store %arg9[%swap3A, %swap3A_84], %sub3A_83 {strides = array<i32>} : memref<64x10xf32, #tpu.memory_space<vmem>>, vector<64x10xf32>,
    return
  }
}

</mosaic_0001>

<sc_bundles>
// kernel: kernel.6.cloned.1.call-start
scs
__scs_entry_jumppad:
0x0: {  	(pc) =	sbr.rel $0x88, $3  }
0x1: {  	(tag) =	ssettag $0x0;
	lr =	simm.s32 $0x1  }
0x2: {  	[smem:$0x3F98] =	sst lr;
	_ =	strace $0xD0000000  }
0x3: {  	_ = 	snop  }
0x4: {  	_ = 	snop  }
0x5: {  	_ = 	snop  }
0x6: {  	_ = 	snop  }
0x7: {  	_ = 	snop  }
__scs_overlays_trampoline_lowered:
0x8: {  	[smem:$0x3FA7] =	sst s0  }
0x9: {  	[smem:$0x3FA8] =	sst s1  }
0xa: {  	[smem:$0x3FA9] =	sst s2  }
0xb: {  	[smem:$0x3FAA] =	sst s3  }
0xc: {  	[smem:$0x3FAB] =	sst s4  }
0xd: {  	[smem:$0x3FAC] =	sst s5  }
0xe: {  	[smem:$0x3FAD] =	sst s6  }
0xf: {  	[smem:$0x3FAE] =	sst s7  }
0x10: {  	[smem:$0x3FAF] =	sst s8  }
0x11: {  	[smem:$0x3FB0] =	sst s9;
	s0 =	simm.s32 @!p0 $0x0  }
0x12: {  	s1 =	sld [smem:$0x3F96];
	s0 =	simm.s32 @p0 $0x1  }
0x13: {  	[smem:$0x3FB1] =	sst s0;
	s0 =	simm.s32 @!p1 $0x0  }
0x14: {  	s2 =	sld [smem:$0x3F95];
	s0 =	simm.s32 @p1 $0x1  }
0x15: {  	[smem:$0x3FB2] =	sst s0;
	s0 =	simm.s32 @!p2 $0x0  }
0x16: {  	s3 =	sld [smem:$0x3FDB];
	s0 =	simm.s32 @p2 $0x1  }
0x17: {  	s4 =	simm.s32 $0x1BF5;
	[smem:$0x3FB4] =	sst s0  }
0x18: {  	s0 =	sld [smem:$0x3F97];
	_ =	swait.ge [sflag:s4], $0x0  }
0x19: {  	s7 =	sld [smem:$0x3F98]  }
0x1a: {  	s8 =	sadd.s32 $0xFFFFE003, lr  }
0x1b: {  	s9 =	sadd.s32 $0xFFFFFEF7, lr;
	s5 =	simm.s32 $0xFFFFFFFF;
	p2 =	slt.u32 s8, $0xFFFFF086  }
0x1c: {  	p1 =	slt.u32 s9, $0xF7A;
	s5 =	simm.s32 @!p2 $0x0  }
0x1d: {  	s5 =	simm.s32 @p1 $0x1;
	p0 =	seq.s32 s7, s2  }
0x1e: {  	s7 =	smul.u32 @!p0 $0xF7A, s2;
	p2 =	seq.s32 @!p0 s5, $0x0  }
0x1f: {  	s9 =	smul.u32 $0xF7A, s1;
	s8 =	simm.s32 @!p0 $0x1BF5;
	p2 =	por !p2, p0  }
0x20: {  	[sflag:s8] =	ssyncset.s32 @!p0 $0xFFFFF086;
	s6 =	sadd.s32 @!p0 s3, s7;
	s7 =	simm.s32 @!p0 $0x108  }
0x21: {  	s3 =	sadd.s32 s3, s9;
	s6 =	sadd.s32 @!p0 $0x88, s6;
	s7 =	simm.s32 @p2 $0x1082  }
0x22: {  	[simem:s7], [sflag:s8] =	dma.local @!p0 [hbm:s6], $0xF7A  }
0x23: {  	s9 =	sor.u32 $0xD0000000, s2;
	s6 =	simm.s32 $0x108;
	_ =	swait.ge @!p0 [sflag:s8], $0x0  }
0x24: {  	s3 =	sadd.s32 $0x88, s3;
	s6 =	simm.s32 @!p1 $0x1082;
	[sflag:s4] =	ssyncset.s32 $0xFFFFF086  }
0x25: {  	[simem:s6], [sflag:s4] =	dma.local [hbm:s3], $0xF7A  }
0x26: {  	[smem:$0x3F98] =	sst s1;
	(tag) =	ssettag s2;
	_ =	strace s9  }
0x27: {  	s1 =	sld [smem:$0x3FA8]  }
0x28: {  	s2 =	sld [smem:$0x3FA9]  }
0x29: {  	s4 =	sld [smem:$0x3FAB]  }
0x2a: {  	p0 =	seq.s32 s5, $0x0;
	s5 =	sld [smem:$0x3FAC]  }
0x2b: {  	s6 =	sld [smem:$0x3FAD]  }
0x2c: {  	s7 =	sld [smem:$0x3FAE]  }
0x2d: {  	s3 =	simm.s32 $0x108;
	s8 =	sld [smem:$0x3FAF]  }
0x2e: {  	s3 =	simm.s32 @!p0 $0x1082;
	s9 =	sld [smem:$0x3FB0]  }
0x2f: {  	lr =	sadd.s32 s0, s3;
	s0 =	sld [smem:$0x3FA7]  }
0x30: {  	s3 =	sld [smem:$0x3FAA]  }
0x31: {  	[smem:$0x3FB3] =	sst s10  }
0x32: {  	s10 =	sld [smem:$0x3FB1];
	_ =	sdelay $0x3  }
0x33: {  	p0 =	seq.s32 s10, $0x1;
	s10 =	sld [smem:$0x3FB3];
	_ =	sdelay $0x3  }
0x34: {  	[smem:$0x3FB3] =	sst s10  }
0x35: {  	s10 =	sld [smem:$0x3FB2];
	_ =	sdelay $0x3  }
0x36: {  	p1 =	seq.s32 s10, $0x1;
	s10 =	sld [smem:$0x3FB3];
	_ =	sdelay $0x3  }
0x37: {  	[smem:$0x3FB3] =	sst s10  }
0x38: {  	s10 =	sld [smem:$0x3FB4]  }
0x39: {  	_ = 	snop;
	(pc) =	sbr.ind lr, $3  }
0x3a: {  	_ = 	snop  }
0x3b: {  	_ = 	snop  }
0x3c: {  	p2 =	seq.s32 s10, $0x1;
	s10 =	sld [smem:$0x3FB3]  }
0x3d: {  	_ =	shalt  }
0x3e: {  	_ =	shalt  }
0x3f: {  	_ =	shalt  }
0x40: {  	_ =	shalt  }
0x41: {  	_ =	shalt  }
0x42: {  	_ =	shalt  }
0x43: {  	_ =	shalt  }
0x44: {  	_ =	shalt  }
0x45: {  	_ =	shalt  }
0x46: {  	_ =	shalt  }
0x47: {  	_ =	shalt  }
0x48: {  	_ =	shalt  }
0x49: {  	_ =	shalt  }
0x4a: {  	_ =	shalt  }
0x4b: {  	_ =	shalt  }
0x4c: {  	_ =	shalt  }
0x4d: {  	_ =	shalt  }
0x4e: {  	_ =	shalt  }
0x4f: {  	_ =	shalt  }
0x50: {  	_ =	shalt  }
0x51: {  	_ =	shalt  }
0x52: {  	_ =	shalt  }
0x53: {  	_ =	shalt  }
0x54: {  	_ =	shalt  }
0x55: {  	_ =	shalt  }
0x56: {  	_ =	shalt  }
0x57: {  	_ =	shalt  }
0x58: {  	_ =	shalt  }
0x59: {  	_ =	shalt  }
0x5a: {  	_ =	shalt  }
0x5b: {  	_ =	shalt  }
0x5c: {  	_ =	shalt  }
0x5d: {  	_ =	shalt  }
0x5e: {  	_ =	shalt  }
0x5f: {  	_ =	shalt  }
0x60: {  	_ =	shalt  }
0x61: {  	_ =	shalt  }
0x62: {  	_ =	shalt  }
0x63: {  	_ =	shalt  }
0x64: {  	_ =	shalt  }
0x65: {  	_ =	shalt  }
0x66: {  	_ =	shalt  }
0x67: {  	_ =	shalt  }
0x68: {  	_ =	shalt  }
0x69: {  	_ =	shalt  }
0x6a: {  	_ =	shalt  }
0x6b: {  	_ =	shalt  }
0x6c: {  	_ =	shalt  }
0x6d: {  	_ =	shalt  }
0x6e: {  	_ =	shalt  }
0x6f: {  	_ =	shalt  }
0x70: {  	_ =	shalt  }
0x71: {  	_ =	shalt  }
0x72: {  	_ =	shalt  }
0x73: {  	_ =	shalt  }
0x74: {  	_ =	shalt  }
0x75: {  	_ =	shalt  }
0x76: {  	_ =	shalt  }
0x77: {  	_ =	shalt  }
0x78: {  	_ =	shalt  }
0x79: {  	_ =	shalt  }
0x7a: {  	_ =	shalt  }
0x7b: {  	_ =	shalt  }
0x7c: {  	_ =	shalt  }
0x7d: {  	_ =	shalt  }
0x7e: {  	_ =	shalt  }
0x7f: {  	_ =	shalt  }
0x80: {  	_ =	shalt  }
0x81: {  	_ =	shalt  }
0x82: {  	_ =	shalt  }
0x83: {  	_ =	shalt  }
0x84: {  	_ =	shalt  }
0x85: {  	_ =	shalt  }
0x86: {  	_ =	shalt  }
0x87: {  	_ =	shalt  }
.Lfunc_end0:
.L_simem_size_0:
called_computation_lowered:
.L_overlay_start_0:
0x88: {  	s2 =	sld [smem:$0x3FD9]  }
0x89: {  	s3 =	sld [smem:$0x3FFE];
	_ =	sdelay $0x1  }
0x8a: {  	s1 =	srdreg.scid  }
0x8b: {  	s0 =	sand.u32 $0x1, s1  }
0x8c: {  	s16 =	sshll.u32 s0, $0xA;
	s2 =	sadd.s32 s3, s2  }
0x8d: {  	s2 =	sadd.s32 s2, s16  }
0x8e: {  	[smem:$0x3FBF] =	sst s2  }
0x8f: {  	_ = 	snop  }
0x90: {  	(tm) =	ssettm $0x1  }
0x91: {  	s17 =	sld [smem:$0x3FFB];
	_ =	sdelay $0x3  }
0x92: {  	_ =	strace s17  }
0x93: {  	s2 =	sld [smem:$0x3FFC];
	_ =	sdelay $0x3  }
0x94: {  	_ =	strace s2  }
0x95: {  	s2 =	sld [smem:$0x3FFD];
	_ =	sdelay $0x3  }
0x96: {  	_ =	strace s2  }
0x97: {  	_ =	strace $0x8FFFFFFF  }
0x98: {  	s18 =	sld [smem:$0x3FDB];
	_ =	sdelay $0x1  }
0x99: {  	s19 =	simm.s32 $_scs_section_size  }
0x9a: {  	s4 =	simm.s32 $_size__tile_overlayer_lowered;
	s5 =	simm.s32 $_tile_overlayer_lowered  }
0x9b: {  	s22 =	simm.s32 $0x1BFF;
	s21 =	sshll.u32 s5, $0x1;
	s2 =	sadd.s32 s19, s18  }
0x9c: {  	s6 =	simm.s32 $0x0;
	s20 =	sshll.u32 s4, $0x1;
	s4 =	sadd.s32 s21, s2  }
0x9d: {  	[timem:s6], [sflag:s22] =	dma.local [hbm:s4], s20  }
0x9e: {  	_ =	swait.ge [sflag:s22], s20  }
0x9f: {  	s3 =	ssub.s32 $0x0, s20;
	[sflag:s22] =	ssyncset.done $0x0  }
0xa0: {  	[sflag:s22] =	ssyncadd.s32 s3;
	_ =	sdelay $0x1  }
0xa1: {  	s23 =	simm.s32 $0x1B8B  }
0xa2: {  	_ =	swait.ge [sflag:s23], $0x1  }
0xa3: {  	[sflag:s23] =	ssyncset.done $0x0  }
0xa4: {  	s25 =	simm.s32 $0x1B8E;
	s24 =	sld [smem:$0x3FFE];
	[sflag:s23] =	ssyncadd.s32 $0xFFFFFFFF  }
0xa5: {  	s26 =	simm.s32 $execute0_lowered;
	[smem:$0x3FD2] =	sst s25  }
0xa6: {  	s4 =	sshll.u32 s26, $0x1;
	_ =	strace $0x80000046;
	[dreg:$0x1] =	wrdreg $0xFFFFFFFF  }
0xa7: {  	s28 =	simm.s32 $_size_execute0_lowered;
	s2 =	sadd.s32 s2, s4;
	[dreg:$0x0] =	wrdreg $0x0  }
0xa8: {  	s4 =	sshll.u32 s28, $0x1;
	[dreg:$0x2] =	wrdreg s2  }
0xa9: {  	[dreg:$0x3] =	wrdreg s4  }
0xaa: {  	[dreg:$0x4] =	wrdreg $0xC0  }
0xab: {  	_ =	task [dreg:s6], $0x5FFFF  }
0xac: {  	[dreg:$0x1] =	wrdreg $0xFFFFFFFF  }
0xad: {  	[dreg:$0x0] =	wrdreg $0x60  }
0xae: {  	[dreg:$0x2] =	wrdreg s24  }
0xaf: {  	[dreg:$0x3] =	wrdreg $0x2B000  }
0xb0: {  	[dreg:$0x4] =	wrdreg $0x9  }
0xb1: {  	_ =	task.clear_ibuf [dreg:s6], $0x5FFFF;
	_ =	strace $0x90000046  }
0xb2: {  	s29 =	simm.s32 $0x9;
	_ =	strace $0x80000048  }
0xb3: {  	_ =	swait.ge [sflag:s29], $0x1  }
0xb4: {  	[sflag:s29] =	ssyncadd.s32 $0xFFFFFFFF  }
0xb5: {  	_ =	strace $0x90000048  }
0xb6: {  	_ =	sfence  }
0xb7: {  	s30 =	sld [smem:$0x0];
	_ =	sdelay $0x2  }
0xb8: {  	s31 =	sshll.u32 s1, $0xD;
	s1 =	sshrl.u32 s1, $0x2  }
0xb9: {  	s3 =	sand.u32 $0x4000, s31;
	s1 =	sadd.s32 s1, s30  }
0xba: {  	s0 =	sor.u32 s3, s0;
	s1 =	sshll.u32 s1, $0x11  }
0xbb: {  	s0 =	sor.u32 s1, s0  }
0xbc: {  	s0 =	sadd.s32 $0x8F2B, s0  }
0xbd: {  	[sflag:s0] =	ssyncadd.remote.s32 $0x1  }
0xbe: {  	_ =	sfence.sel $0xFFFF  }
0xbf: {  	[dreg:$0x0] =	wrdreg $0xFFFFFFFF;
	(pc) =	sbr.abs _section_cstart, $3  }
0xc0: {  	[dreg:$0x1] =	wrdreg $0xFFFFFFFF  }
0xc1: {  	_ =	task.clear_ibuf [dreg:s6], $0x2FFFF;
	_ =	strace $0x9FFFFFFF  }
0xc2: {  	(tm) =	ssettm $0x7FFFFFFF  }
0xc3: {  	_ =	shalt  }
tec
execute0_lowered:
.L_overlay_start_1:
0x0: {  	(tag) =	ssettag $0x1  }
0x1: {  	s4 =	rddreg [dreg:$0x0]  }
0x2: {  	s2 =	rddreg [dreg:$0x1]  }
0x3: {  	s0 =	rddreg [dreg:$0x2];
	s3 =	srdreg.scid  }
0x4: {  	s1 =	stileid.u32;
	s10 =	simm.s32 $0x80;
	s11 =	simm.s32 $0x2800  }
0x5: {  	s12 =	simm.s32 $0x1;
	s13 =	simm.s32 $0x0;
	s5 =	sand.u32 $0x1, s3  }
0x6: {  	s6 =	sshll.u32 s1, $0x1;
	s7 =	smul.u32 $0x280, s1;
	s3 =	simm.s32 $0x0  }
0x7: {  	s6 =	sor.u32 s5, s6;
	s8 =	smul.u32 $0x2800, s5;
	s5 =	ssub.s32 $0x2, s5  }
0x8: {  	[smem:$0x7FF] =	sst s3;
	s6 =	smul.u32 $0x500, s6;
	s9 =	sshrl.u32 s5, $0x1  }
0x9: {  	_ =	strace $0x80000047;
	s8 =	sadd.s32 s7, s8;
	s9 =	ssub.s32 s5, s9  }
0xa: {  	s5 =	sadd.s32 s7, s2;
	s6 =	sadd.s32 s6, s4;
	s8 =	sshrl.u32 s8, $0x3  }
0xb: {  	s7 =	smax.u32 s9, $0x1;
	s9 =	simm.s32 $0x2880;
	s8 =	sadd.s32 s8, s4  }
0xc: {  	v0 =	vimm.f32 $1.000000000e+00;
	v1 =	vimm.f32 $0.0e+00;
	s4 =	sadd.s32 $0xB800, s6;
	s6 =	sadd.s32 $0x15800, s8;
	s8 =	simm.s32 $0x2  }
.LBB2_1:
0xd: {  	[tilespmem:s3], [sflag:$0x2] =	stream.linear.gather [hbm4b:s4+s3], $0x2800, $0x38;
	[tilespmem:$0x2D80] =	vst v63  }
0xe: {  	_ =	swait.ge [sflag:s8], $0x2800  }
0xf: {  	[sflag:s8] =	ssyncset.done $0x0  }
0x10: {  	[sflag:s8] =	ssyncadd.s32 $0xFFFFD800  }
0x11: {  	[tilespmem:$0x2800] =	vst v0  }
0x12: {  	[tilespmem:$0x2810] =	vst v0  }
0x13: {  	[tilespmem:$0x2820] =	vst v0  }
0x14: {  	[tilespmem:$0x2830] =	vst v0  }
0x15: {  	[tilespmem:$0x2840] =	vst v0  }
0x16: {  	[tilespmem:$0x2850] =	vst v0  }
0x17: {  	[tilespmem:$0x2860] =	vst v0  }
0x18: {  	[tilespmem:$0x2870] =	vst v0  }
0x19: {  	[tilespmem:$0x2880] =	vst v1  }
0x1a: {  	[tilespmem:$0x2890] =	vst v1  }
0x1b: {  	[tilespmem:$0x28A0] =	vst v1  }
0x1c: {  	[tilespmem:$0x28B0] =	vst v1  }
0x1d: {  	[tilespmem:$0x28C0] =	vst v1  }
0x1e: {  	[tilespmem:$0x28D0] =	vst v1  }
0x1f: {  	[tilespmem:$0x28E0] =	vst v1  }
0x20: {  	[tilespmem:$0x28F0] =	vst v1  }
0x21: {  	[tilespmem:$0x2900] =	vst v1  }
0x22: {  	[tilespmem:$0x2910] =	vst v1  }
0x23: {  	[tilespmem:$0x2920] =	vst v1  }
0x24: {  	[tilespmem:$0x2930] =	vst v1  }
0x25: {  	[tilespmem:$0x2940] =	vst v1  }
0x26: {  	[tilespmem:$0x2950] =	vst v1  }
0x27: {  	[tilespmem:$0x2960] =	vst v1  }
0x28: {  	[tilespmem:$0x2970] =	vst v1  }
0x29: {  	[tilespmem:$0x2980] =	vst v1  }
0x2a: {  	[tilespmem:$0x2990] =	vst v1  }
0x2b: {  	[tilespmem:$0x29A0] =	vst v1  }
0x2c: {  	[tilespmem:$0x29B0] =	vst v1  }
0x2d: {  	[tilespmem:$0x29C0] =	vst v1  }
0x2e: {  	[tilespmem:$0x29D0] =	vst v1  }
0x2f: {  	[tilespmem:$0x29E0] =	vst v1  }
0x30: {  	[tilespmem:$0x29F0] =	vst v1  }
0x31: {  	[tilespmem:$0x2A00] =	vst v1  }
0x32: {  	[tilespmem:$0x2A10] =	vst v1  }
0x33: {  	[tilespmem:$0x2A20] =	vst v1  }
0x34: {  	[tilespmem:$0x2A30] =	vst v1  }
0x35: {  	[tilespmem:$0x2A40] =	vst v1  }
0x36: {  	[tilespmem:$0x2A50] =	vst v1  }
0x37: {  	[tilespmem:$0x2A60] =	vst v1  }
0x38: {  	[tilespmem:$0x2A70] =	vst v1  }
0x39: {  	[tilespmem:$0x2A80] =	vst v1  }
0x3a: {  	[tilespmem:$0x2A90] =	vst v1  }
0x3b: {  	[tilespmem:$0x2AA0] =	vst v1  }
0x3c: {  	[tilespmem:$0x2AB0] =	vst v1  }
0x3d: {  	[tilespmem:$0x2AC0] =	vst v1  }
0x3e: {  	[tilespmem:$0x2AD0] =	vst v1  }
0x3f: {  	[tilespmem:$0x2AE0] =	vst v1  }
0x40: {  	[tilespmem:$0x2AF0] =	vst v1  }
0x41: {  	[spmem:s5] =	stream.linear.scatter [tilespmem:s9], [sflag:$0x2], $0x280, $0x38;
	[tilespmem:$0x2D80] =	vst v63  }
0x42: {  	_ =	swait.ge [sflag:s8], $0x280  }
0x43: {  	[sflag:s8] =	ssyncset.done $0x0  }
0x44: {  	[sflag:s8] =	ssyncadd.s32 $0xFFFFFD80  }
0x45: {  	s14 =	simm.s32 $0x0;
	[bflag:$0x0] =	sbarrier.arrive $0xFFFF  }
.LBB2_2:
0x46: {  	p0 =	sne.s32 s14, $0x9E00  }
.Ltmp0:
0x47: {  	_ = 	snop;
	(pc) =	sbr.rel @p0 .LBB2_2-.Ltmp0, $3  }
0x48: {  	_ =	sdelay $0x1  }
0x49: {  	s15 =	sshra.s32 s14, $0x2;
	s14 =	sadd.s32 $0x200, s14  }
0x4a: {  	[spmem:s2] =	stream.indirect.scatter.add.f32 [tilespmem:s11], [sflag:$0x1], $0x1, s15, s10, $0xb8;
	[tilespmem:$0x2D80] =	vst v63  }
0x4b: {  	_ =	swait.ge [sflag:s12], $0x80  }
0x4c: {  	s14 =	simm.s32 $0x4F;
	[sflag:s12] =	ssyncset.done $0x0  }
.LBB2_4:
0x4d: {  	p0 =	sne.s32 s14, $0x1;
	s14 =	sadd.s32 $0xFFFFFFFF, s14;
	[sflag:s12] =	ssyncadd.s32 $0xFFFFFF80  }
.Ltmp1:
0x4e: {  	(pc) =	sbr.rel @p0 .LBB2_4-.Ltmp1, $3  }
0x4f: {  	_ =	sdelay $0x1  }
0x50: {  	_ =	swait.ge [sflag:s12], $0x80  }
0x51: {  	[sflag:s12] =	ssyncset.done $0x0  }
0x52: {  	[sflag:s12] =	ssyncadd.s32 $0xFFFFFF80  }
0x53: {  	[bflag:$0x0] =	sbarrier.arrive $0xFFFF  }
0x54: {  	[tilespmem:s9], [sflag:$0x2] =	stream.linear.gather [spmem:s5], $0x280, $0x38;
	[tilespmem:$0x2D80] =	vst v63  }
0x55: {  	s13 =	sadd.s32 $0x1, s13;
	_ =	swait.ge [sflag:s8], $0x280  }
0x56: {  	p0 =	sne.s32 s13, s7;
	[sflag:s8] =	ssyncset.done $0x0  }
.Ltmp2:
0x57: {  	[sflag:s8] =	ssyncadd.s32 $0xFFFFFD80;
	(pc) =	sbr.rel @p0 .LBB2_1-.Ltmp2, $4  }
0x58: {  	[hbm4b:s6+s3] =	stream.linear.scatter [tilespmem:s9], [sflag:$0x2], $0x280, $0x38;
	[tilespmem:$0x2D80] =	vst v63  }
0x59: {  	_ =	swait.ge [sflag:s8], $0x280  }
0x5a: {  	[sflag:s8] =	ssyncset.done $0x0  }
0x5b: {  	[sflag:s8] =	ssyncadd.s32 $0xFFFFFD80  }
0x5c: {  	_ =	sfence.sel $0x180000  }
0x5d: {  	[bflag:$0x0] =	sbarrier.arrive $0xFFFF  }
0x5e: {  	p0 =	sne.s32 s1, $0x0;
	_ =	strace $0x90000047  }
0x5f: {  	s0 =	sadd.s32 @!p0 $0x100000, s0;
	[bflag:$0x2] =	sbarrier.arrive $0xFFFF  }
0x60: {  	[sflag:s0] =	ssyncadd.tile.s32 @!p0 $0x1;
	_ =	shalt  }
.Lfunc_end2:
_tile_overlayer_lowered:
.L_overlay_start_2:
0x61: {  	(tag) =	ssettag $0x2  }
0x62: {  	s0 =	rddreg [dreg:$0x0];
	s2 =	stileid.u32  }
0x63: {  	s1 =	rddreg [dreg:$0x1];
	p0 =	sne.s32 s2, $0x0  }
0x64: {  	s3 =	rddreg [dreg:$0x2];
	[bflag:$0x3] =	sbarrier.arrive $0xFFFF;
	s2 =	simm.s32 @!p0 $0x1C02  }
0x65: {  	[timem:s3], [sflag:s2] =	dma.local @!p0 [hbm:s0], s1  }
0x66: {  	s0 =	simm.s32 @!p0 $0x2  }
0x67: {  	_ =	swait.ge @!p0 [sflag:s0], s1  }
0x68: {  	s1 =	ssub.s32 @!p0 $0x0, s1;
	[sflag:s0] =	ssyncset.done @!p0 $0x0  }
0x69: {  	[sflag:s0] =	ssyncadd.s32 @!p0 s1  }
0x6a: {  	[bflag:$0x3] =	sbarrier.arrive $0xFFFF  }
0x6b: {  	_ =	shalt  }

// kernel: kernel.9.cloned.1.call-start
scs
__scs_entry_jumppad:
0x0: {  	(pc) =	sbr.rel $0x88, $3  }
0x1: {  	(tag) =	ssettag $0x0;
	lr =	simm.s32 $0x1  }
0x2: {  	[smem:$0x3F98] =	sst lr;
	_ =	strace $0xD0000000  }
0x3: {  	_ = 	snop  }
0x4: {  	_ = 	snop  }
0x5: {  	_ = 	snop  }
0x6: {  	_ = 	snop  }
0x7: {  	_ = 	snop  }
__scs_overlays_trampoline_lowered:
0x8: {  	[smem:$0x3FA7] =	sst s0  }
0x9: {  	[smem:$0x3FA8] =	sst s1  }
0xa: {  	[smem:$0x3FA9] =	sst s2  }
0xb: {  	[smem:$0x3FAA] =	sst s3  }
0xc: {  	[smem:$0x3FAB] =	sst s4  }
0xd: {  	[smem:$0x3FAC] =	sst s5  }
0xe: {  	[smem:$0x3FAD] =	sst s6  }
0xf: {  	[smem:$0x3FAE] =	sst s7  }
0x10: {  	[smem:$0x3FAF] =	sst s8  }
0x11: {  	[smem:$0x3FB0] =	sst s9;
	s0 =	simm.s32 @!p0 $0x0  }
0x12: {  	s1 =	sld [smem:$0x3F96];
	s0 =	simm.s32 @p0 $0x1  }
0x13: {  	[smem:$0x3FB1] =	sst s0;
	s0 =	simm.s32 @!p1 $0x0  }
0x14: {  	s2 =	sld [smem:$0x3F95];
	s0 =	simm.s32 @p1 $0x1  }
0x15: {  	[smem:$0x3FB2] =	sst s0;
	s0 =	simm.s32 @!p2 $0x0  }
0x16: {  	s3 =	sld [smem:$0x3FDB];
	s0 =	simm.s32 @p2 $0x1  }
0x17: {  	s4 =	simm.s32 $0x1BF5;
	[smem:$0x3FB4] =	sst s0  }
0x18: {  	s0 =	sld [smem:$0x3F97];
	_ =	swait.ge [sflag:s4], $0x0  }
0x19: {  	s7 =	sld [smem:$0x3F98]  }
0x1a: {  	s8 =	sadd.s32 $0xFFFFE003, lr  }
0x1b: {  	s9 =	sadd.s32 $0xFFFFFEF7, lr;
	s5 =	simm.s32 $0xFFFFFFFF;
	p2 =	slt.u32 s8, $0xFFFFF086  }
0x1c: {  	p1 =	slt.u32 s9, $0xF7A;
	s5 =	simm.s32 @!p2 $0x0  }
0x1d: {  	s5 =	simm.s32 @p1 $0x1;
	p0 =	seq.s32 s7, s2  }
0x1e: {  	s7 =	smul.u32 @!p0 $0xF7A, s2;
	p2 =	seq.s32 @!p0 s5, $0x0  }
0x1f: {  	s9 =	smul.u32 $0xF7A, s1;
	s8 =	simm.s32 @!p0 $0x1BF5;
	p2 =	por !p2, p0  }
0x20: {  	[sflag:s8] =	ssyncset.s32 @!p0 $0xFFFFF086;
	s6 =	sadd.s32 @!p0 s3, s7;
	s7 =	simm.s32 @!p0 $0x108  }
0x21: {  	s3 =	sadd.s32 s3, s9;
	s6 =	sadd.s32 @!p0 $0x88, s6;
	s7 =	simm.s32 @p2 $0x1082  }
0x22: {  	[simem:s7], [sflag:s8] =	dma.local @!p0 [hbm:s6], $0xF7A  }
0x23: {  	s9 =	sor.u32 $0xD0000000, s2;
	s6 =	simm.s32 $0x108;
	_ =	swait.ge @!p0 [sflag:s8], $0x0  }
0x24: {  	s3 =	sadd.s32 $0x88, s3;
	s6 =	simm.s32 @!p1 $0x1082;
	[sflag:s4] =	ssyncset.s32 $0xFFFFF086  }
0x25: {  	[simem:s6], [sflag:s4] =	dma.local [hbm:s3], $0xF7A  }
0x26: {  	[smem:$0x3F98] =	sst s1;
	(tag) =	ssettag s2;
	_ =	strace s9  }
0x27: {  	s1 =	sld [smem:$0x3FA8]  }
0x28: {  	s2 =	sld [smem:$0x3FA9]  }
0x29: {  	s4 =	sld [smem:$0x3FAB]  }
0x2a: {  	p0 =	seq.s32 s5, $0x0;
	s5 =	sld [smem:$0x3FAC]  }
0x2b: {  	s6 =	sld [smem:$0x3FAD]  }
0x2c: {  	s7 =	sld [smem:$0x3FAE]  }
0x2d: {  	s3 =	simm.s32 $0x108;
	s8 =	sld [smem:$0x3FAF]  }
0x2e: {  	s3 =	simm.s32 @!p0 $0x1082;
	s9 =	sld [smem:$0x3FB0]  }
0x2f: {  	lr =	sadd.s32 s0, s3;
	s0 =	sld [smem:$0x3FA7]  }
0x30: {  	s3 =	sld [smem:$0x3FAA]  }
0x31: {  	[smem:$0x3FB3] =	sst s10  }
0x32: {  	s10 =	sld [smem:$0x3FB1];
	_ =	sdelay $0x3  }
0x33: {  	p0 =	seq.s32 s10, $0x1;
	s10 =	sld [smem:$0x3FB3];
	_ =	sdelay $0x3  }
0x34: {  	[smem:$0x3FB3] =	sst s10  }
0x35: {  	s10 =	sld [smem:$0x3FB2];
	_ =	sdelay $0x3  }
0x36: {  	p1 =	seq.s32 s10, $0x1;
	s10 =	sld [smem:$0x3FB3];
	_ =	sdelay $0x3  }
0x37: {  	[smem:$0x3FB3] =	sst s10  }
0x38: {  	s10 =	sld [smem:$0x3FB4]  }
0x39: {  	_ = 	snop;
	(pc) =	sbr.ind lr, $3  }
0x3a: {  	_ = 	snop  }
0x3b: {  	_ = 	snop  }
0x3c: {  	p2 =	seq.s32 s10, $0x1;
	s10 =	sld [smem:$0x3FB3]  }
0x3d: {  	_ =	shalt  }
0x3e: {  	_ =	shalt  }
0x3f: {  	_ =	shalt  }
0x40: {  	_ =	shalt  }
0x41: {  	_ =	shalt  }
0x42: {  	_ =	shalt  }
0x43: {  	_ =	shalt  }
0x44: {  	_ =	shalt  }
0x45: {  	_ =	shalt  }
0x46: {  	_ =	shalt  }
0x47: {  	_ =	shalt  }
0x48: {  	_ =	shalt  }
0x49: {  	_ =	shalt  }
0x4a: {  	_ =	shalt  }
0x4b: {  	_ =	shalt  }
0x4c: {  	_ =	shalt  }
0x4d: {  	_ =	shalt  }
0x4e: {  	_ =	shalt  }
0x4f: {  	_ =	shalt  }
0x50: {  	_ =	shalt  }
0x51: {  	_ =	shalt  }
0x52: {  	_ =	shalt  }
0x53: {  	_ =	shalt  }
0x54: {  	_ =	shalt  }
0x55: {  	_ =	shalt  }
0x56: {  	_ =	shalt  }
0x57: {  	_ =	shalt  }
0x58: {  	_ =	shalt  }
0x59: {  	_ =	shalt  }
0x5a: {  	_ =	shalt  }
0x5b: {  	_ =	shalt  }
0x5c: {  	_ =	shalt  }
0x5d: {  	_ =	shalt  }
0x5e: {  	_ =	shalt  }
0x5f: {  	_ =	shalt  }
0x60: {  	_ =	shalt  }
0x61: {  	_ =	shalt  }
0x62: {  	_ =	shalt  }
0x63: {  	_ =	shalt  }
0x64: {  	_ =	shalt  }
0x65: {  	_ =	shalt  }
0x66: {  	_ =	shalt  }
0x67: {  	_ =	shalt  }
0x68: {  	_ =	shalt  }
0x69: {  	_ =	shalt  }
0x6a: {  	_ =	shalt  }
0x6b: {  	_ =	shalt  }
0x6c: {  	_ =	shalt  }
0x6d: {  	_ =	shalt  }
0x6e: {  	_ =	shalt  }
0x6f: {  	_ =	shalt  }
0x70: {  	_ =	shalt  }
0x71: {  	_ =	shalt  }
0x72: {  	_ =	shalt  }
0x73: {  	_ =	shalt  }
0x74: {  	_ =	shalt  }
0x75: {  	_ =	shalt  }
0x76: {  	_ =	shalt  }
0x77: {  	_ =	shalt  }
0x78: {  	_ =	shalt  }
0x79: {  	_ =	shalt  }
0x7a: {  	_ =	shalt  }
0x7b: {  	_ =	shalt  }
0x7c: {  	_ =	shalt  }
0x7d: {  	_ =	shalt  }
0x7e: {  	_ =	shalt  }
0x7f: {  	_ =	shalt  }
0x80: {  	_ =	shalt  }
0x81: {  	_ =	shalt  }
0x82: {  	_ =	shalt  }
0x83: {  	_ =	shalt  }
0x84: {  	_ =	shalt  }
0x85: {  	_ =	shalt  }
0x86: {  	_ =	shalt  }
0x87: {  	_ =	shalt  }
.Lfunc_end0:
.L_simem_size_0:
called_computation.1_lowered:
.L_overlay_start_0:
0x88: {  	s2 =	sld [smem:$0x3FD9]  }
0x89: {  	s3 =	sld [smem:$0x3FFE];
	_ =	sdelay $0x1  }
0x8a: {  	s1 =	srdreg.scid  }
0x8b: {  	s0 =	sand.u32 $0x1, s1  }
0x8c: {  	s16 =	sshll.u32 s0, $0xA;
	s2 =	sadd.s32 s3, s2  }
0x8d: {  	s2 =	sadd.s32 s2, s16  }
0x8e: {  	[smem:$0x3FBF] =	sst s2  }
0x8f: {  	_ = 	snop  }
0x90: {  	(tm) =	ssettm $0x1  }
0x91: {  	s17 =	sld [smem:$0x3FFB];
	_ =	sdelay $0x3  }
0x92: {  	_ =	strace s17  }
0x93: {  	s2 =	sld [smem:$0x3FFC];
	_ =	sdelay $0x3  }
0x94: {  	_ =	strace s2  }
0x95: {  	s2 =	sld [smem:$0x3FFD];
	_ =	sdelay $0x3  }
0x96: {  	_ =	strace s2  }
0x97: {  	_ =	strace $0x8FFFFFFF  }
0x98: {  	s18 =	sld [smem:$0x3FDB];
	_ =	sdelay $0x1  }
0x99: {  	s19 =	simm.s32 $_scs_section_size  }
0x9a: {  	s4 =	simm.s32 $_size__tile_overlayer_lowered;
	s5 =	simm.s32 $_tile_overlayer_lowered  }
0x9b: {  	s22 =	simm.s32 $0x1BFF;
	s21 =	sshll.u32 s5, $0x1;
	s2 =	sadd.s32 s19, s18  }
0x9c: {  	s6 =	simm.s32 $0x0;
	s20 =	sshll.u32 s4, $0x1;
	s4 =	sadd.s32 s21, s2  }
0x9d: {  	[timem:s6], [sflag:s22] =	dma.local [hbm:s4], s20  }
0x9e: {  	_ =	swait.ge [sflag:s22], s20  }
0x9f: {  	s3 =	ssub.s32 $0x0, s20;
	[sflag:s22] =	ssyncset.done $0x0  }
0xa0: {  	[sflag:s22] =	ssyncadd.s32 s3;
	_ =	sdelay $0x1  }
0xa1: {  	s23 =	simm.s32 $0x1B8B  }
0xa2: {  	_ =	swait.ge [sflag:s23], $0x1  }
0xa3: {  	[sflag:s23] =	ssyncset.done $0x0  }
0xa4: {  	s25 =	simm.s32 $0x1B8E;
	s24 =	sld [smem:$0x3FFE];
	[sflag:s23] =	ssyncadd.s32 $0xFFFFFFFF  }
0xa5: {  	s26 =	simm.s32 $execute0_lowered;
	[smem:$0x3FD2] =	sst s25  }
0xa6: {  	s4 =	sshll.u32 s26, $0x1;
	_ =	strace $0x80000049;
	[dreg:$0x1] =	wrdreg $0xFFFFFFFF  }
0xa7: {  	s28 =	simm.s32 $_size_execute0_lowered;
	s2 =	sadd.s32 s2, s4;
	[dreg:$0x0] =	wrdreg $0x0  }
0xa8: {  	s4 =	sshll.u32 s28, $0x1;
	[dreg:$0x2] =	wrdreg s2  }
0xa9: {  	[dreg:$0x3] =	wrdreg s4  }
0xaa: {  	[dreg:$0x4] =	wrdreg $0xC0  }
0xab: {  	_ =	task [dreg:s6], $0x5FFFF  }
0xac: {  	[dreg:$0x1] =	wrdreg $0xFFFFFFFF  }
0xad: {  	[dreg:$0x0] =	wrdreg $0x60  }
0xae: {  	[dreg:$0x2] =	wrdreg s24  }
0xaf: {  	[dreg:$0x3] =	wrdreg $0xD0000  }
0xb0: {  	[dreg:$0x4] =	wrdreg $0x9  }
0xb1: {  	_ =	task.clear_ibuf [dreg:s6], $0x5FFFF;
	_ =	strace $0x90000049  }
0xb2: {  	s29 =	simm.s32 $0x9;
	_ =	strace $0x8000004B  }
0xb3: {  	_ =	swait.ge [sflag:s29], $0x1  }
0xb4: {  	[sflag:s29] =	ssyncadd.s32 $0xFFFFFFFF  }
0xb5: {  	_ =	strace $0x9000004B  }
0xb6: {  	_ =	sfence  }
0xb7: {  	s30 =	sld [smem:$0x0];
	_ =	sdelay $0x2  }
0xb8: {  	s31 =	sshll.u32 s1, $0xD;
	s1 =	sshrl.u32 s1, $0x2  }
0xb9: {  	s3 =	sand.u32 $0x4000, s31;
	s1 =	sadd.s32 s1, s30  }
0xba: {  	s0 =	sor.u32 s3, s0;
	s1 =	sshll.u32 s1, $0x11  }
0xbb: {  	s0 =	sor.u32 s1, s0  }
0xbc: {  	s0 =	sadd.s32 $0x8F2B, s0  }
0xbd: {  	[sflag:s0] =	ssyncadd.remote.s32 $0x1  }
0xbe: {  	_ =	sfence.sel $0xFFFF  }
0xbf: {  	[dreg:$0x0] =	wrdreg $0xFFFFFFFF;
	(pc) =	sbr.abs _section_cstart, $3  }
0xc0: {  	[dreg:$0x1] =	wrdreg $0xFFFFFFFF  }
0xc1: {  	_ =	task.clear_ibuf [dreg:s6], $0x2FFFF;
	_ =	strace $0x9FFFFFFF  }
0xc2: {  	(tm) =	ssettm $0x7FFFFFFF  }
0xc3: {  	_ =	shalt  }
tec
execute0_lowered:
.L_overlay_start_1:
0x0: {  	(tag) =	ssettag $0x1  }
0x1: {  	s0 =	rddreg [dreg:$0x0];
	s1 =	srdreg.scid  }
0x2: {  	s8 =	stileid.u32;
	s2 =	rddreg [dreg:$0x1]  }
0x3: {  	s3 =	simm.s32 $0x0;
	s18 =	simm.s32 $0x9;
	s20 =	simm.s32 $0x5000  }
0x4: {  	s21 =	simm.s32 $0x80;
	s22 =	simm.s32 $0x7000;
	s28 =	simm.s32 $0x1  }
0x5: {  	s29 =	simm.s32 $0x5;
	s30 =	simm.s32 $0x2;
	s31 =	simm.s32 $0x6  }
0x6: {  	s19 =	simm.s32 $0x4;
	s1 =	sand.u32 $0x1, s1;
	s4 =	sshll.u32 s8, $0x1  }
0x7: {  	[smem:$0x7FF] =	sst s3;
	s11 =	smul.u32 $0xA000, s8;
	s4 =	sor.u32 s1, s4  }
0x8: {  	_ =	strace $0x8000004A;
	s6 =	ssub.s32 $0x2, s1;
	s1 =	smul.u32 $0xA0000, s1  }
0x9: {  	s4 =	smul.u32 $0x500, s4;
	s7 =	sshrl.u32 s6, $0x1;
	s24 =	sadd.s32 $0x2000, s11  }
0xa: {  	s14 =	sadd.s32 $0x4000, s11;
	s15 =	sadd.s32 $0x6000, s11;
	s16 =	sadd.s32 $0x8000, s11  }
0xb: {  	s6 =	ssub.s32 s6, s7;
	s7 =	sadd.s32 s11, s2;
	s8 =	sadd.s32 s24, s2  }
0xc: {  	s9 =	sadd.s32 s14, s2;
	s10 =	sadd.s32 s15, s2;
	s12 =	sadd.s32 s11, s1  }
0xd: {  	s11 =	sadd.s32 s16, s2;
	s25 =	sadd.s32 s1, s14;
	s26 =	sadd.s32 s1, s15  }
0xe: {  	s5 =	sadd.s32 s4, s0;
	s4 =	sadd.s32 $0x15800, s0;
	s0 =	sadd.s32 $0x29200, s0  }
0xf: {  	s12 =	sshrl.u32 s12, $0x3;
	s15 =	sshrl.u32 s26, $0x3;
	s23 =	sadd.s32 $0x1800, s5  }
0x10: {  	s17 =	smax.u32 s6, $0x1;
	s5 =	sadd.s32 $0xB800, s5;
	[dreg:$0x3] =	wrdreg s23  }
0x11: {  	s26 =	simm.s32 $0xB000;
	s12 =	sadd.s32 s0, s12;
	[dreg:$0x4] =	wrdreg s5  }
0x12: {  	s15 =	sadd.s32 s0, s15;
	s5 =	sadd.s32 s1, s24;
	[dreg:$0x5] =	wrdreg s12  }
0x13: {  	s1 =	sadd.s32 s1, s16;
	s24 =	simm.s32 $0x9000;
	s5 =	sshrl.u32 s5, $0x3  }
0x14: {  	s23 =	simm.s32 $0x8;
	s1 =	sshrl.u32 s1, $0x3;
	s13 =	sadd.s32 s0, s5  }
0x15: {  	s5 =	sshrl.u32 s25, $0x3;
	s16 =	sadd.s32 s0, s1;
	s1 =	simm.s32 $0x3  }
0x16: {  	v0 =	vimm.f32 $0.0e+00;
	s25 =	simm.s32 $0x0;
	s14 =	sadd.s32 s0, s5;
	s0 =	simm.s32 $0x7  }
.LBB2_1:
0x17: {  	s5 =	rddreg [dreg:$0x3]  }
0x18: {  	[tilespmem:s3], [sflag:$0x9] =	stream.linear.gather [hbm4b:s5+s3], $0x2800, $0x38;
	[tilespmem:$0x17000] =	vst v63  }
0x19: {  	_ =	swait.ge [sflag:s18], $0x2800  }
0x1a: {  	[sflag:s18] =	ssyncset.done $0x0  }
0x1b: {  	s6 =	simm.s32 $0x2800;
	s12 =	rddreg [dreg:$0x4];
	[sflag:s18] =	ssyncadd.s32 $0xFFFFD800  }
0x1c: {  	[tilespmem:s6], [sflag:$0x9] =	stream.linear.gather [hbm4b:s12+s3], $0x2800, $0x38;
	[tilespmem:$0x17000] =	vst v63  }
0x1d: {  	_ =	swait.ge [sflag:s18], $0x2800  }
0x1e: {  	[sflag:s18] =	ssyncset.done $0x0  }
0x1f: {  	s5 =	simm.s32 $0x0;
	s6 =	simm.s32 $0x100;
	[sflag:s18] =	ssyncadd.s32 $0xFFFFD800  }
.LBB2_2:
0x20: {  	p0 =	sne.s32 s6, $0x7F00;
	[tilespmem:s5+$0x5030] =	vst v0;
	s12 =	smov.u32 s6;
	s6 =	sadd.s32 $0x100, s6  }
.Ltmp0:
0x21: {  	[tilespmem:s5+$0x5020] =	vst v0;
	(pc) =	sbr.rel @p0 .LBB2_2-.Ltmp0, $3  }
0x22: {  	[tilespmem:s5+$0x5000] =	vst v0  }
0x23: {  	[tilespmem:s5+$0x5010] =	vst v0;
	_ =	sdelay $0x1  }
0x24: {  	s5 =	sshra.s32 s12, $0x2  }
0x25: {  	[tilespmem:s5+$0x5030] =	vst v0  }
0x26: {  	[tilespmem:s5+$0x5020] =	vst v0  }
0x27: {  	[tilespmem:s5+$0x5000] =	vst v0  }
0x28: {  	[tilespmem:s5+$0x5010] =	vst v0  }
0x29: {  	[spmem:s7] =	stream.linear.scatter [tilespmem:s20], [sflag:$0x9], $0x2000, $0x38;
	[tilespmem:$0x17000] =	vst v63  }
0x2a: {  	_ =	swait.ge [sflag:s18], $0x2000  }
0x2b: {  	[sflag:s18] =	ssyncset.done $0x0  }
0x2c: {  	[sflag:s18] =	ssyncadd.s32 $0xFFFFE000  }
0x2d: {  	[spmem:s8] =	stream.linear.scatter [tilespmem:s20], [sflag:$0x9], $0x2000, $0x38;
	[tilespmem:$0x17000] =	vst v63  }
0x2e: {  	_ =	swait.ge [sflag:s18], $0x2000  }
0x2f: {  	[sflag:s18] =	ssyncset.done $0x0  }
0x30: {  	[sflag:s18] =	ssyncadd.s32 $0xFFFFE000  }
0x31: {  	[spmem:s9] =	stream.linear.scatter [tilespmem:s20], [sflag:$0x9], $0x2000, $0x38;
	[tilespmem:$0x17000] =	vst v63  }
0x32: {  	_ =	swait.ge [sflag:s18], $0x2000  }
0x33: {  	[sflag:s18] =	ssyncset.done $0x0  }
0x34: {  	[sflag:s18] =	ssyncadd.s32 $0xFFFFE000  }
0x35: {  	[spmem:s10] =	stream.linear.scatter [tilespmem:s20], [sflag:$0x9], $0x2000, $0x38;
	[tilespmem:$0x17000] =	vst v63  }
0x36: {  	_ =	swait.ge [sflag:s18], $0x2000  }
0x37: {  	[sflag:s18] =	ssyncset.done $0x0  }
0x38: {  	[sflag:s18] =	ssyncadd.s32 $0xFFFFE000  }
0x39: {  	[spmem:s11] =	stream.linear.scatter [tilespmem:s20], [sflag:$0x9], $0x2000, $0x38;
	[tilespmem:$0x17000] =	vst v63  }
0x3a: {  	_ =	swait.ge [sflag:s18], $0x2000  }
0x3b: {  	[sflag:s18] =	ssyncset.done $0x0  }
0x3c: {  	[sflag:s18] =	ssyncadd.s32 $0xFFFFE000  }
0x3d: {  	s6 =	simm.s32 $0x0;
	[bflag:$0x0] =	sbarrier.arrive $0xFFFF  }
0x3e: {  	[tilespmem:s20], [sflag:$0x1] =	stream.indirect.gather [hbm4b:s4+s21], $0x40, s6, s21, $0xb8;
	[tilespmem:$0x17000] =	vst v63  }
0x3f: {  	_ = 	snop  }
0x40: {  	[tilespmem:s22], [sflag:$0x2] =	stream.indirect.gather [hbm4b:s4+s21], $0x40, s21, s21, $0xb8;
	[tilespmem:$0x17000] =	vst v63  }
0x41: {  	s12 =	simm.s32 $0x100  }
0x42: {  	[tilespmem:s24], [sflag:$0x3] =	stream.indirect.gather [hbm4b:s4+s21], $0x40, s12, s21, $0xb8;
	[tilespmem:$0x17000] =	vst v63  }
0x43: {  	s6 =	simm.s32 $0x180  }
0x44: {  	[tilespmem:s26], [sflag:$0x4] =	stream.indirect.gather [hbm4b:s4+s21], $0x40, s6, s21, $0xb8;
	[tilespmem:$0x17000] =	vst v63  }
0x45: {  	_ =	swait.ge [sflag:s28], $0x2000  }
0x46: {  	[sflag:s28] =	ssyncset.done $0x0  }
0x47: {  	s12 =	simm.s32 $0x2800;
	[sflag:s28] =	ssyncadd.s32 $0xFFFFE000  }
0x48: {  	[spmem:s2] =	stream.indirect.scatter.add.f32 [tilespmem:s20], [sflag:$0x5], $0x40, s12, s21, $0xb8;
	[tilespmem:$0x17000] =	vst v63  }
0x49: {  	_ =	swait.ge [sflag:s29], $0x2000  }
0x4a: {  	[sflag:s29] =	ssyncset.done $0x0  }
0x4b: {  	s6 =	simm.s32 $0x200;
	[sflag:s29] =	ssyncadd.s32 $0xFFFFE000  }
0x4c: {  	[tilespmem:s20], [sflag:$0x1] =	stream.indirect.gather [hbm4b:s4+s21], $0x40, s6, s21, $0xb8;
	[tilespmem:$0x17000] =	vst v63  }
0x4d: {  	_ =	swait.ge [sflag:s30], $0x2000  }
0x4e: {  	[sflag:s30] =	ssyncset.done $0x0  }
0x4f: {  	s12 =	simm.s32 $0x2880;
	[sflag:s30] =	ssyncadd.s32 $0xFFFFE000  }
0x50: {  	[spmem:s2] =	stream.indirect.scatter.add.f32 [tilespmem:s22], [sflag:$0x6], $0x40, s12, s21, $0xb8;
	[tilespmem:$0x17000] =	vst v63  }
0x51: {  	_ =	swait.ge [sflag:s31], $0x2000  }
0x52: {  	[sflag:s31] =	ssyncset.done $0x0  }
0x53: {  	s6 =	simm.s32 $0x280;
	[sflag:s31] =	ssyncadd.s32 $0xFFFFE000  }
0x54: {  	[tilespmem:s22], [sflag:$0x2] =	stream.indirect.gather [hbm4b:s4+s21], $0x40, s6, s21, $0xb8;
	[tilespmem:$0x17000] =	vst v63  }
0x55: {  	_ =	swait.ge [sflag:s1], $0x2000  }
0x56: {  	[sflag:s1] =	ssyncset.done $0x0  }
0x57: {  	s12 =	simm.s32 $0x2900;
	[sflag:s1] =	ssyncadd.s32 $0xFFFFE000  }
0x58: {  	[spmem:s2] =	stream.indirect.scatter.add.f32 [tilespmem:s24], [sflag:$0x7], $0x40, s12, s21, $0xb8;
	[tilespmem:$0x17000] =	vst v63  }
0x59: {  	_ =	swait.ge [sflag:s0], $0x2000  }
0x5a: {  	[sflag:s0] =	ssyncset.done $0x0  }
0x5b: {  	s6 =	simm.s32 $0x300;
	[sflag:s0] =	ssyncadd.s32 $0xFFFFE000  }
0x5c: {  	[tilespmem:s24], [sflag:$0x3] =	stream.indirect.gather [hbm4b:s4+s21], $0x40, s6, s21, $0xb8;
	[tilespmem:$0x17000] =	vst v63  }
0x5d: {  	_ =	swait.ge [sflag:s19], $0x2000  }
0x5e: {  	[sflag:s19] =	ssyncset.done $0x0  }
0x5f: {  	s12 =	simm.s32 $0x2980;
	[sflag:s19] =	ssyncadd.s32 $0xFFFFE000  }
0x60: {  	[spmem:s2] =	stream.indirect.scatter.add.f32 [tilespmem:s26], [sflag:$0x8], $0x40, s12, s21, $0xb8;
	[tilespmem:$0x17000] =	vst v63  }
0x61: {  	_ =	swait.ge [sflag:s23], $0x2000  }
0x62: {  	[sflag:s23] =	ssyncset.done $0x0  }
0x63: {  	s5 =	simm.s32 $0x800;
	s6 =	simm.s32 $0x380;
	[sflag:s23] =	ssyncadd.s32 $0xFFFFE000  }
.LBB2_4:
0x64: {  	[tilespmem:s26], [sflag:$0x4] =	stream.indirect.gather [hbm4b:s4+s21], $0x40, s6, s21, $0xb8;
	[tilespmem:$0x17000] =	vst v63  }
0x65: {  	s6 =	smov.u32 s5  }
0x66: {  	p0 =	sne.s32 s5, $0x9000;
	s5 =	sadd.s32 $0x800, s5;
	_ =	swait.ge [sflag:s28], $0x2000  }
0x67: {  	s6 =	sshra.s32 s6, $0x2;
	[sflag:s28] =	ssyncset.done $0x0  }
0x68: {  	s12 =	sadd.s32 $0x2800, s6;
	[sflag:s28] =	ssyncadd.s32 $0xFFFFE000  }
0x69: {  	[spmem:s2] =	stream.indirect.scatter.add.f32 [tilespmem:s20], [sflag:$0x5], $0x40, s12, s21, $0xb8;
	[tilespmem:$0x17000] =	vst v63  }
0x6a: {  	_ =	swait.ge [sflag:s29], $0x2000  }
0x6b: {  	[sflag:s29] =	ssyncset.done $0x0  }
0x6c: {  	s12 =	sadd.s32 $0x200, s6;
	[sflag:s29] =	ssyncadd.s32 $0xFFFFE000  }
0x6d: {  	[tilespmem:s20], [sflag:$0x1] =	stream.indirect.gather [hbm4b:s4+s21], $0x40, s12, s21, $0xb8;
	[tilespmem:$0x17000] =	vst v63  }
0x6e: {  	_ =	swait.ge [sflag:s30], $0x2000  }
0x6f: {  	[sflag:s30] =	ssyncset.done $0x0  }
0x70: {  	s12 =	sadd.s32 $0x2880, s6;
	[sflag:s30] =	ssyncadd.s32 $0xFFFFE000  }
0x71: {  	[spmem:s2] =	stream.indirect.scatter.add.f32 [tilespmem:s22], [sflag:$0x6], $0x40, s12, s21, $0xb8;
	[tilespmem:$0x17000] =	vst v63  }
0x72: {  	_ =	swait.ge [sflag:s31], $0x2000  }
0x73: {  	[sflag:s31] =	ssyncset.done $0x0  }
0x74: {  	s12 =	sadd.s32 $0x280, s6;
	[sflag:s31] =	ssyncadd.s32 $0xFFFFE000  }
0x75: {  	[tilespmem:s22], [sflag:$0x2] =	stream.indirect.gather [hbm4b:s4+s21], $0x40, s12, s21, $0xb8;
	[tilespmem:$0x17000] =	vst v63  }
0x76: {  	_ =	swait.ge [sflag:s1], $0x2000  }
0x77: {  	[sflag:s1] =	ssyncset.done $0x0  }
0x78: {  	s12 =	sadd.s32 $0x2900, s6;
	[sflag:s1] =	ssyncadd.s32 $0xFFFFE000  }
0x79: {  	[spmem:s2] =	stream.indirect.scatter.add.f32 [tilespmem:s24], [sflag:$0x7], $0x40, s12, s21, $0xb8;
	[tilespmem:$0x17000] =	vst v63  }
0x7a: {  	_ =	swait.ge [sflag:s0], $0x2000  }
0x7b: {  	[sflag:s0] =	ssyncset.done $0x0  }
0x7c: {  	s12 =	sadd.s32 $0x300, s6;
	[sflag:s0] =	ssyncadd.s32 $0xFFFFE000  }
0x7d: {  	[tilespmem:s24], [sflag:$0x3] =	stream.indirect.gather [hbm4b:s4+s21], $0x40, s12, s21, $0xb8;
	[tilespmem:$0x17000] =	vst v63  }
0x7e: {  	_ =	swait.ge [sflag:s19], $0x2000  }
0x7f: {  	[sflag:s19] =	ssyncset.done $0x0  }
.Ltmp1:
0x80: {  	s12 =	sadd.s32 $0x2980, s6;
	[sflag:s19] =	ssyncadd.s32 $0xFFFFE000;
	(pc) =	sbr.rel @p0 .LBB2_4-.Ltmp1, $4  }
0x81: {  	[spmem:s2] =	stream.indirect.scatter.add.f32 [tilespmem:s26], [sflag:$0x8], $0x40, s12, s21, $0xb8;
	[tilespmem:$0x17000] =	vst v63  }
0x82: {  	_ =	swait.ge [sflag:s23], $0x2000  }
0x83: {  	[sflag:s23] =	ssyncset.done $0x0  }
0x84: {  	s6 =	sadd.s32 $0x380, s6;
	[sflag:s23] =	ssyncadd.s32 $0xFFFFE000  }
0x85: {  	[tilespmem:s26], [sflag:$0x4] =	stream.indirect.gather [hbm4b:s4+s21], $0x40, s6, s21, $0xb8;
	[tilespmem:$0x17000] =	vst v63  }
0x86: {  	_ =	swait.ge [sflag:s28], $0x2000  }
0x87: {  	[sflag:s28] =	ssyncset.done $0x0  }
0x88: {  	s5 =	simm.s32 $0x4E00;
	[sflag:s28] =	ssyncadd.s32 $0xFFFFE000  }
0x89: {  	[spmem:s2] =	stream.indirect.scatter.add.f32 [tilespmem:s20], [sflag:$0x5], $0x40, s5, s21, $0xb8;
	[tilespmem:$0x17000] =	vst v63  }
0x8a: {  	_ =	swait.ge [sflag:s30], $0x2000  }
0x8b: {  	[sflag:s30] =	ssyncset.done $0x0  }
0x8c: {  	s6 =	simm.s32 $0x4E80;
	[sflag:s30] =	ssyncadd.s32 $0xFFFFE000  }
0x8d: {  	[spmem:s2] =	stream.indirect.scatter.add.f32 [tilespmem:s22], [sflag:$0x6], $0x40, s6, s21, $0xb8;
	[tilespmem:$0x17000] =	vst v63  }
0x8e: {  	_ =	swait.ge [sflag:s1], $0x2000  }
0x8f: {  	[sflag:s1] =	ssyncset.done $0x0  }
0x90: {  	s12 =	simm.s32 $0x4F00;
	[sflag:s1] =	ssyncadd.s32 $0xFFFFE000  }
0x91: {  	[spmem:s2] =	stream.indirect.scatter.add.f32 [tilespmem:s24], [sflag:$0x7], $0x40, s12, s21, $0xb8;
	[tilespmem:$0x17000] =	vst v63  }
0x92: {  	_ =	swait.ge [sflag:s19], $0x2000  }
0x93: {  	[sflag:s19] =	ssyncset.done $0x0  }
0x94: {  	s6 =	simm.s32 $0x4F80;
	[sflag:s19] =	ssyncadd.s32 $0xFFFFE000  }
0x95: {  	[spmem:s2] =	stream.indirect.scatter.add.f32 [tilespmem:s26], [sflag:$0x8], $0x40, s6, s21, $0xb8;
	[tilespmem:$0x17000] =	vst v63  }
0x96: {  	_ =	swait.ge [sflag:s29], $0x2000  }
0x97: {  	[sflag:s29] =	ssyncset.done $0x0  }
0x98: {  	[sflag:s29] =	ssyncadd.s32 $0xFFFFE000  }
0x99: {  	_ =	swait.ge [sflag:s31], $0x2000  }
0x9a: {  	[sflag:s31] =	ssyncset.done $0x0  }
0x9b: {  	[sflag:s31] =	ssyncadd.s32 $0xFFFFE000  }
0x9c: {  	_ =	swait.ge [sflag:s0], $0x2000  }
0x9d: {  	[sflag:s0] =	ssyncset.done $0x0  }
0x9e: {  	[sflag:s0] =	ssyncadd.s32 $0xFFFFE000  }
0x9f: {  	_ =	swait.ge [sflag:s23], $0x2000  }
0xa0: {  	[sflag:s23] =	ssyncset.done $0x0  }
0xa1: {  	[sflag:s23] =	ssyncadd.s32 $0xFFFFE000  }
0xa2: {  	[bflag:$0x0] =	sbarrier.arrive $0xFFFF  }
0xa3: {  	[tilespmem:s20], [sflag:$0x9] =	stream.linear.gather [spmem:s7], $0x2000, $0x38;
	[tilespmem:$0x17000] =	vst v63  }
0xa4: {  	_ =	swait.ge [sflag:s18], $0x2000  }
0xa5: {  	[sflag:s18] =	ssyncset.done $0x0  }
0xa6: {  	s12 =	rddreg [dreg:$0x5];
	[sflag:s18] =	ssyncadd.s32 $0xFFFFE000  }
0xa7: {  	[hbm4b:s12+s3] =	stream.linear.scatter [tilespmem:s20], [sflag:$0x5], $0x2000, $0x38;
	[tilespmem:$0x17000] =	vst v63  }
0xa8: {  	_ = 	snop  }
0xa9: {  	[tilespmem:s22], [sflag:$0x9] =	stream.linear.gather [spmem:s8], $0x2000, $0x38;
	[tilespmem:$0x17000] =	vst v63  }
0xaa: {  	_ =	swait.ge [sflag:s18], $0x2000  }
0xab: {  	[sflag:s18] =	ssyncset.done $0x0  }
0xac: {  	[sflag:s18] =	ssyncadd.s32 $0xFFFFE000  }
0xad: {  	[hbm4b:s13+s3] =	stream.linear.scatter [tilespmem:s22], [sflag:$0x6], $0x2000, $0x38;
	[tilespmem:$0x17000] =	vst v63  }
0xae: {  	_ = 	snop  }
0xaf: {  	[tilespmem:s24], [sflag:$0x9] =	stream.linear.gather [spmem:s9], $0x2000, $0x38;
	[tilespmem:$0x17000] =	vst v63  }
0xb0: {  	_ =	swait.ge [sflag:s18], $0x2000  }
0xb1: {  	[sflag:s18] =	ssyncset.done $0x0  }
0xb2: {  	[sflag:s18] =	ssyncadd.s32 $0xFFFFE000  }
0xb3: {  	[hbm4b:s14+s3] =	stream.linear.scatter [tilespmem:s24], [sflag:$0x7], $0x2000, $0x38;
	[tilespmem:$0x17000] =	vst v63  }
0xb4: {  	_ = 	snop  }
0xb5: {  	[tilespmem:s26], [sflag:$0x9] =	stream.linear.gather [spmem:s10], $0x2000, $0x38;
	[tilespmem:$0x17000] =	vst v63  }
0xb6: {  	_ =	swait.ge [sflag:s18], $0x2000  }
0xb7: {  	[sflag:s18] =	ssyncset.done $0x0  }
0xb8: {  	[sflag:s18] =	ssyncadd.s32 $0xFFFFE000  }
0xb9: {  	[hbm4b:s15+s3] =	stream.linear.scatter [tilespmem:s26], [sflag:$0x8], $0x2000, $0x38;
	[tilespmem:$0x17000] =	vst v63  }
0xba: {  	_ =	swait.ge [sflag:s29], $0x2000  }
0xbb: {  	[sflag:s29] =	ssyncset.done $0x0  }
0xbc: {  	[sflag:s29] =	ssyncadd.s32 $0xFFFFE000  }
0xbd: {  	[tilespmem:s20], [sflag:$0x9] =	stream.linear.gather [spmem:s11], $0x2000, $0x38;
	[tilespmem:$0x17000] =	vst v63  }
0xbe: {  	_ =	swait.ge [sflag:s18], $0x2000  }
0xbf: {  	[sflag:s18] =	ssyncset.done $0x0  }
0xc0: {  	[sflag:s18] =	ssyncadd.s32 $0xFFFFE000  }
0xc1: {  	[hbm4b:s16+s3] =	stream.linear.scatter [tilespmem:s20], [sflag:$0x5], $0x2000, $0x38;
	[tilespmem:$0x17000] =	vst v63  }
0xc2: {  	_ =	swait.ge [sflag:s29], $0x2000  }
0xc3: {  	[sflag:s29] =	ssyncset.done $0x0  }
0xc4: {  	[sflag:s29] =	ssyncadd.s32 $0xFFFFE000  }
0xc5: {  	_ =	swait.ge [sflag:s31], $0x2000  }
0xc6: {  	[sflag:s31] =	ssyncset.done $0x0  }
0xc7: {  	s25 =	sadd.s32 $0x1, s25;
	[sflag:s31] =	ssyncadd.s32 $0xFFFFE000  }
0xc8: {  	p0 =	sne.s32 s25, s17;
	_ =	swait.ge [sflag:s0], $0x2000  }
.Ltmp2:
0xc9: {  	[sflag:s0] =	ssyncset.done $0x0;
	(pc) =	sbr.rel @p0 .LBB2_1-.Ltmp2, $4  }
0xca: {  	[sflag:s0] =	ssyncadd.s32 $0xFFFFE000  }
0xcb: {  	_ =	swait.ge [sflag:s23], $0x2000  }
0xcc: {  	[sflag:s23] =	ssyncset.done $0x0  }
0xcd: {  	[sflag:s23] =	ssyncadd.s32 $0xFFFFE000  }
0xce: {  	_ =	sfence.sel $0x180000  }
0xcf: {  	[bflag:$0x0] =	sbarrier.arrive $0xFFFF  }
0xd0: {  	_ =	strace $0x9000004A  }
0xd1: {  	s0 =	stileid.u32;
	[bflag:$0x2] =	sbarrier.arrive $0xFFFF  }
0xd2: {  	p0 =	sne.s32 s0, $0x0;
	s0 =	rddreg [dreg:$0x2]  }
0xd3: {  	s0 =	sadd.s32 @!p0 $0x100000, s0  }
0xd4: {  	[sflag:s0] =	ssyncadd.tile.s32 @!p0 $0x1;
	_ =	shalt  }
.Lfunc_end2:
_tile_overlayer_lowered:
.L_overlay_start_2:
0xd5: {  	(tag) =	ssettag $0x2  }
0xd6: {  	s0 =	rddreg [dreg:$0x0];
	s2 =	stileid.u32  }
0xd7: {  	s1 =	rddreg [dreg:$0x1];
	p0 =	sne.s32 s2, $0x0  }
0xd8: {  	s3 =	rddreg [dreg:$0x2];
	[bflag:$0x3] =	sbarrier.arrive $0xFFFF;
	s2 =	simm.s32 @!p0 $0x1C09  }
0xd9: {  	[timem:s3], [sflag:s2] =	dma.local @!p0 [hbm:s0], s1  }
0xda: {  	s0 =	simm.s32 @!p0 $0x9  }
0xdb: {  	_ =	swait.ge @!p0 [sflag:s0], s1  }
0xdc: {  	s1 =	ssub.s32 @!p0 $0x0, s1;
	[sflag:s0] =	ssyncset.done @!p0 $0x0  }
0xdd: {  	[sflag:s0] =	ssyncadd.s32 @!p0 s1  }
0xde: {  	[bflag:$0x3] =	sbarrier.arrive $0xFFFF  }
0xdf: {  	_ =	shalt  }

</sc_bundles>
